<compile_context>
chip_gen: v7x
topology: tpu7x:2x2x1
jax: 0.10.2.dev20260603
libtpu: 0.0.44.dev20260713+nightly
codegen_flags: <defaults>
</compile_context>

<pallas_src>
import functools

import jax
import jax.numpy as jnp
from jax import lax
from jax.experimental import pallas as pl
from jax.experimental.pallas import tpu as pltpu
from jax.experimental.pallas import tpu_sc as plsc

N = 10000
E = 320000
D = 128
NPAD = 10240
W_EDGES = 128
N_WIN = E // W_EDGES
N_WORKERS = 32
ROWS_PER_TILE = NPAD // 16
PROWS_PER_TILE = NPAD // 16

_mesh = plsc.VectorSubcoreMesh(core_axis_name="c", subcore_axis_name="s")


@functools.partial(
    pl.kernel,
    out_type=jax.ShapeDtypeStruct((NPAD,), jnp.float32),
    mesh=_mesh,
    scratch_types=[
        pltpu.VMEM((W_EDGES,), jnp.int32),
        pltpu.VMEM((W_EDGES,), jnp.float32),
        pltpu.VMEM((PROWS_PER_TILE,), jnp.float32),
        pltpu.VMEM_SHARED((NPAD,), jnp.float32),
    ],
)
def _deg(dst_hbm, deg_hbm, idx_v, ones_v, buf_v, acc_sh):
    c = lax.axis_index("c")
    s = lax.axis_index("s")

    @pl.when(c == 0)
    def _():
        for j in range(W_EDGES // 16):
            ones_v[pl.ds(j * 16, 16)] = jnp.full((16,), 1.0, jnp.float32)

        def zbody(j, _):
            buf_v[pl.ds(j * 16, 16)] = jnp.zeros((16,), jnp.float32)
            return None

        lax.fori_loop(0, PROWS_PER_TILE // 16, zbody, None)
        r0 = s * PROWS_PER_TILE
        pltpu.sync_copy(buf_v, acc_sh.at[pl.ds(r0, PROWS_PER_TILE)])
        plsc.subcore_barrier()

        lo = (N_WIN * s) // 16
        hi = (N_WIN * (s + 1)) // 16

        def body(i, _):
            pltpu.sync_copy(dst_hbm.at[pl.ds(i * W_EDGES, W_EDGES)], idx_v)
            pltpu.sync_copy(ones_v, acc_sh.at[idx_v], add=True)
            return None

        lax.fori_loop(lo, hi, body, None)
        plsc.subcore_barrier()
        pltpu.sync_copy(acc_sh.at[pl.ds(r0, PROWS_PER_TILE)],
                        deg_hbm.at[pl.ds(r0, PROWS_PER_TILE)])


@functools.partial(
    pl.kernel,
    out_type=jax.ShapeDtypeStruct((2, NPAD, D), jnp.float32),
    mesh=_mesh,
    scratch_types=[
        pltpu.VMEM((W_EDGES,), jnp.int32),
        pltpu.VMEM((W_EDGES,), jnp.int32),
        pltpu.VMEM((W_EDGES, D), jnp.float32),
        pltpu.VMEM_SHARED((NPAD, D), jnp.float32),
        pltpu.SemaphoreType.DMA,
    ],
)
def _aggregate(hp_hbm, src_hbm, dst_hbm, p_hbm, src_v, dst_v, rows_v, acc_sh, sem):
    c = lax.axis_index("c")
    s = lax.axis_index("s")
    r0 = s * ROWS_PER_TILE
    pltpu.sync_copy(hp_hbm.at[pl.ds(r0, ROWS_PER_TILE)],
                    acc_sh.at[pl.ds(r0, ROWS_PER_TILE)])
    plsc.subcore_barrier()

    wid = c * 16 + s
    lo = (N_WIN * wid) // N_WORKERS
    hi = (N_WIN * (wid + 1)) // N_WORKERS

    def body(i, _):
        base = i * W_EDGES
        pltpu.sync_copy(src_hbm.at[pl.ds(base, W_EDGES)], src_v)
        pltpu.sync_copy(dst_hbm.at[pl.ds(base, W_EDGES)], dst_v)
        pltpu.async_copy(hp_hbm.at[src_v], rows_v, sem).wait()
        pltpu.sync_copy(rows_v, acc_sh.at[dst_v], add=True)
        return None

    lax.fori_loop(lo, hi, body, None)
    plsc.subcore_barrier()
    pltpu.sync_copy(acc_sh.at[pl.ds(r0, ROWS_PER_TILE)],
                    p_hbm.at[c, pl.ds(r0, ROWS_PER_TILE)])


def _mm1_body(x_ref, deg_ref, w_ref, o_ref):
    dinv = lax.rsqrt(deg_ref[:N] + 1.0)
    o_ref[:N] = jnp.dot(x_ref[...] * dinv, w_ref[...],
                        preferred_element_type=jnp.float32)
    o_ref[N:] = jnp.zeros((NPAD - N, D), jnp.float32)


def _mid_body(p_ref, hp_ref, deg_ref, b_ref, w_ref, o_ref):
    dinv = lax.rsqrt(deg_ref[...] + 1.0)
    agg = p_ref[0] + p_ref[1] - hp_ref[...]
    x2 = jnp.maximum(agg * dinv + b_ref[...], 0.0) * dinv
    o_ref[...] = jnp.dot(x2, w_ref[...], preferred_element_type=jnp.float32)


def _fin_body(p_ref, hp_ref, deg_ref, b_ref, o_ref):
    dinv = lax.rsqrt(deg_ref[:N] + 1.0)
    o_ref[...] = (p_ref[0, :N] + p_ref[1, :N] - hp_ref[:N]) * dinv + b_ref[...]


_out_pad = jax.ShapeDtypeStruct((NPAD, D), jnp.float32)
_mm1 = pl.pallas_call(_mm1_body, out_shape=_out_pad)
_mid = pl.pallas_call(_mid_body, out_shape=_out_pad)
_fin = pl.pallas_call(_fin_body, out_shape=jax.ShapeDtypeStruct((N, D), jnp.float32))


def kernel(x, edge_index, W1, b1, W2, b2):
    src = edge_index[0].astype(jnp.int32)
    dst = edge_index[1].astype(jnp.int32)
    b1r = b1.reshape(1, D)
    b2r = b2.reshape(1, D)

    deg = _deg(dst).reshape(NPAD, 1)
    h1p = _mm1(x, deg, W1)
    p1 = _aggregate(h1p, src, dst)
    h2p = _mid(p1, h1p, deg, b1r, W2)
    p2 = _aggregate(h2p, src, dst)
    return _fin(p2, h2p, deg, b2r)

# --- scband reference (transcript-rebuilt; emitter-appended) ---
"""Pipeline reference for scband-gcnmodel-27711128994063 (READ-ONLY COPY).

The authoritative reference and input builder live on the scoring server;
editing this copy changes nothing except your own understanding.
"""

import jax, jax.numpy as jnp
import numpy as np

N_NODES = 10000
N_EDGES = 320000
D_IN = 128
D_HID = 128
D_OUT = 128


def setup_inputs(seed: int = 0) -> dict:
    key = jax.random.key(seed)
    k1, k2, k3, k4, k5, k6 = jax.random.split(key, 6)
    x = jax.random.normal(k1, (N_NODES, D_IN), dtype=jnp.float32)
    edge_index = jax.random.randint(k2, (2, N_EDGES), 0, N_NODES, dtype=jnp.int64)
    # Glorot-style init for GCN layer weights
    s1 = float(np.sqrt(6.0 / (D_IN + D_HID)))
    s2 = float(np.sqrt(6.0 / (D_HID + D_OUT)))
    W1 = jax.random.uniform(k3, (D_IN, D_HID), minval=-s1, maxval=s1, dtype=jnp.float32)
    b1 = jnp.zeros((D_HID,), dtype=jnp.float32)
    W2 = jax.random.uniform(k4, (D_HID, D_OUT), minval=-s2, maxval=s2, dtype=jnp.float32)
    b2 = jnp.zeros((D_OUT,), dtype=jnp.float32)
    return {"x": x, "edge_index": edge_index, "W1": W1, "b1": b1, "W2": W2, "b2": b2}


def _gcn_conv(x, edge_index, W, b):
    # Faithful PyG GCNConv: add self-loops, symmetric normalization D^-1/2 A D^-1/2,
    # linear transform, scatter-add aggregation, bias.
    N = x.shape[0]
    src = edge_index[0]
    dst = edge_index[1]
    loop = jnp.arange(N, dtype=src.dtype)
    src = jnp.concatenate([src, loop])
    dst = jnp.concatenate([dst, loop])
    ew = jnp.ones(src.shape[0], dtype=x.dtype)
    deg = jnp.zeros((N,), dtype=x.dtype).at[dst].add(ew)
    deg_inv_sqrt = jnp.where(deg > 0, jax.lax.rsqrt(jnp.where(deg > 0, deg, 1.0)), 0.0)
    norm = deg_inv_sqrt[src] * ew * deg_inv_sqrt[dst]
    h = x @ W
    msg = h[src] * norm[:, None]
    out = jnp.zeros((N, W.shape[1]), dtype=x.dtype).at[dst].add(msg)
    return out + b


def reference(x, edge_index, W1, b1, W2, b2):
    h = _gcn_conv(x, edge_index, W1, b1)
    h = jax.nn.relu(h)
    # dropout p=0.0 / eval mode -> identity
    out = _gcn_conv(h, edge_index, W2, b2)
    return out

if __name__ == "__main__":
    import jax
    _d = setup_inputs()
    print(jax.jit(kernel)(*tuple(_d.values())))

</pallas_src>

<mosaic_0001>
#map = affine_map<(d0, d1) -> (0)>
module attributes {stable_mosaic.version = 14 : i64} {
  func.func @_deg(%arg0: i32, %arg1: i32, %arg2: memref<320000xi32, #tpu.memory_space<hbm>>, %arg3: memref<10240xf32, #tpu.memory_space<hbm>>, %arg4: memref<128xi32, #tpu.memory_space<vmem>>, %arg5: memref<128xf32, #tpu.memory_space<vmem>>, %arg6: memref<640xf32, #tpu.memory_space<vmem>>, %arg7: memref<10240xf32, #tpu.memory_space<vmem_shared>>) attributes {dimension_semantics = [#tpu.dimension_semantics<core_parallel>, #tpu.dimension_semantics<subcore_parallel>], iteration_bounds = array<i64: 2, 16>, scalar_prefetch = 0 : i64, scratch_operands = 4 : i64, tpu.core_type = #tpu.core_type<sc_vector_subcore>, window_params = [{transform_indices = #map}, {transform_indices = #map}]} {
    %eq3A = arith.constant 0 : i32
    %eq3A_0 = arith.cmpi eq, %arg0, %eq3A : i32
    %convert_element_type3A = arith.extui %eq3A_0 : i1 to i32
    %cond3A = arith.constant 0 : i32
    %cond3A_1 = arith.cmpi ne, %convert_element_type3A, %cond3A : i32
    scf.if %cond3A_1 {
      %broadcast_in_dim3A = arith.constant 1.000000e+00 : f32
      %broadcast_in_dim3A_2 = vector.broadcast %broadcast_in_dim3A : f32 to vector<16xf32>
      %swap3A = arith.constant 0 : index
      %swap3A_3 = tpu.vector_load %arg5[%swap3A] {strides = array<i32>} : memref<128xf32, #tpu.memory_space<vmem>>, vector<16xf32>,
      %swap3A_4 = vector.shape_cast %swap3A_3 : vector<16xf32> to vector<16xf32>
      %swap3A_5 = vector.shape_cast %broadcast_in_dim3A_2 : vector<16xf32> to vector<16xf32>
      tpu.vector_store %arg5[%swap3A], %swap3A_5 {strides = array<i32>} : memref<128xf32, #tpu.memory_space<vmem>>, vector<16xf32>,
      %broadcast_in_dim3A_6 = arith.constant 1.000000e+00 : f32
      %broadcast_in_dim3A_7 = vector.broadcast %broadcast_in_dim3A_6 : f32 to vector<16xf32>
      %swap3A_8 = arith.constant 16 : index
      %swap3A_9 = tpu.vector_load %arg5[%swap3A_8] {strides = array<i32>} : memref<128xf32, #tpu.memory_space<vmem>>, vector<16xf32>,
      %swap3A_10 = vector.shape_cast %swap3A_9 : vector<16xf32> to vector<16xf32>
      %swap3A_11 = vector.shape_cast %broadcast_in_dim3A_7 : vector<16xf32> to vector<16xf32>
      tpu.vector_store %arg5[%swap3A_8], %swap3A_11 {strides = array<i32>} : memref<128xf32, #tpu.memory_space<vmem>>, vector<16xf32>,
      %broadcast_in_dim3A_12 = arith.constant 1.000000e+00 : f32
      %broadcast_in_dim3A_13 = vector.broadcast %broadcast_in_dim3A_12 : f32 to vector<16xf32>
      %swap3A_14 = arith.constant 32 : index
      %swap3A_15 = tpu.vector_load %arg5[%swap3A_14] {strides = array<i32>} : memref<128xf32, #tpu.memory_space<vmem>>, vector<16xf32>,
      %swap3A_16 = vector.shape_cast %swap3A_15 : vector<16xf32> to vector<16xf32>
      %swap3A_17 = vector.shape_cast %broadcast_in_dim3A_13 : vector<16xf32> to vector<16xf32>
      tpu.vector_store %arg5[%swap3A_14], %swap3A_17 {strides = array<i32>} : memref<128xf32, #tpu.memory_space<vmem>>, vector<16xf32>,
      %broadcast_in_dim3A_18 = arith.constant 1.000000e+00 : f32
      %broadcast_in_dim3A_19 = vector.broadcast %broadcast_in_dim3A_18 : f32 to vector<16xf32>
      %swap3A_20 = arith.constant 48 : index
      %swap3A_21 = tpu.vector_load %arg5[%swap3A_20] {strides = array<i32>} : memref<128xf32, #tpu.memory_space<vmem>>, vector<16xf32>,
      %swap3A_22 = vector.shape_cast %swap3A_21 : vector<16xf32> to vector<16xf32>
      %swap3A_23 = vector.shape_cast %broadcast_in_dim3A_19 : vector<16xf32> to vector<16xf32>
      tpu.vector_store %arg5[%swap3A_20], %swap3A_23 {strides = array<i32>} : memref<128xf32, #tpu.memory_space<vmem>>, vector<16xf32>,
      %broadcast_in_dim3A_24 = arith.constant 1.000000e+00 : f32
      %broadcast_in_dim3A_25 = vector.broadcast %broadcast_in_dim3A_24 : f32 to vector<16xf32>
      %swap3A_26 = arith.constant 64 : index
      %swap3A_27 = tpu.vector_load %arg5[%swap3A_26] {strides = array<i32>} : memref<128xf32, #tpu.memory_space<vmem>>, vector<16xf32>,
      %swap3A_28 = vector.shape_cast %swap3A_27 : vector<16xf32> to vector<16xf32>
      %swap3A_29 = vector.shape_cast %broadcast_in_dim3A_25 : vector<16xf32> to vector<16xf32>
      tpu.vector_store %arg5[%swap3A_26], %swap3A_29 {strides = array<i32>} : memref<128xf32, #tpu.memory_space<vmem>>, vector<16xf32>,
      %broadcast_in_dim3A_30 = arith.constant 1.000000e+00 : f32
      %broadcast_in_dim3A_31 = vector.broadcast %broadcast_in_dim3A_30 : f32 to vector<16xf32>
      %swap3A_32 = arith.constant 80 : index
      %swap3A_33 = tpu.vector_load %arg5[%swap3A_32] {strides = array<i32>} : memref<128xf32, #tpu.memory_space<vmem>>, vector<16xf32>,
      %swap3A_34 = vector.shape_cast %swap3A_33 : vector<16xf32> to vector<16xf32>
      %swap3A_35 = vector.shape_cast %broadcast_in_dim3A_31 : vector<16xf32> to vector<16xf32>
      tpu.vector_store %arg5[%swap3A_32], %swap3A_35 {strides = array<i32>} : memref<128xf32, #tpu.memory_space<vmem>>, vector<16xf32>,
      %broadcast_in_dim3A_36 = arith.constant 1.000000e+00 : f32
      %broadcast_in_dim3A_37 = vector.broadcast %broadcast_in_dim3A_36 : f32 to vector<16xf32>
      %swap3A_38 = arith.constant 96 : index
      %swap3A_39 = tpu.vector_load %arg5[%swap3A_38] {strides = array<i32>} : memref<128xf32, #tpu.memory_space<vmem>>, vector<16xf32>,
      %swap3A_40 = vector.shape_cast %swap3A_39 : vector<16xf32> to vector<16xf32>
      %swap3A_41 = vector.shape_cast %broadcast_in_dim3A_37 : vector<16xf32> to vector<16xf32>
      tpu.vector_store %arg5[%swap3A_38], %swap3A_41 {strides = array<i32>} : memref<128xf32, #tpu.memory_space<vmem>>, vector<16xf32>,
      %broadcast_in_dim3A_42 = arith.constant 1.000000e+00 : f32
      %broadcast_in_dim3A_43 = vector.broadcast %broadcast_in_dim3A_42 : f32 to vector<16xf32>
      %swap3A_44 = arith.constant 112 : index
      %swap3A_45 = tpu.vector_load %arg5[%swap3A_44] {strides = array<i32>} : memref<128xf32, #tpu.memory_space<vmem>>, vector<16xf32>,
      %swap3A_46 = vector.shape_cast %swap3A_45 : vector<16xf32> to vector<16xf32>
      %swap3A_47 = vector.shape_cast %broadcast_in_dim3A_43 : vector<16xf32> to vector<16xf32>
      tpu.vector_store %arg5[%swap3A_44], %swap3A_47 {strides = array<i32>} : memref<128xf32, #tpu.memory_space<vmem>>, vector<16xf32>,
      %scan3A = arith.constant 0 : i32
      %scan3A_48 = arith.constant 40 : i32
      %scan3A_49 = arith.addi %scan3A, %scan3A_48 : i32
      %scan3A_50 = arith.constant 1 : i32
      scf.for %scan3A_106 = %scan3A to %scan3A_49 step %scan3A_50  : i32 {
        %broadcast_in_dim3A_107 = arith.constant 0.000000e+00 : f32
        %broadcast_in_dim3A_108 = vector.broadcast %broadcast_in_dim3A_107 : f32 to vector<16xf32>
        %mul3A_109 = arith.constant 16 : i32
        %mul3A_110 = arith.muli %scan3A_106, %mul3A_109 : i32
        %swap3A_111 = arith.index_cast %mul3A_110 : i32 to index
        %swap3A_112 = tpu.vector_load %arg6[%swap3A_111] {strides = array<i32>} : memref<640xf32, #tpu.memory_space<vmem>>, vector<16xf32>,
        %swap3A_113 = vector.shape_cast %swap3A_112 : vector<16xf32> to vector<16xf32>
        %swap3A_114 = vector.shape_cast %broadcast_in_dim3A_108 : vector<16xf32> to vector<16xf32>
        tpu.vector_store %arg6[%swap3A_111], %swap3A_114 {strides = array<i32>} : memref<640xf32, #tpu.memory_space<vmem>>, vector<16xf32>,
      }
      %scan3A_51 = arith.constant 40 : i32
      %mul3A = arith.constant 640 : i32
      %mul3A_52 = arith.muli %arg1, %mul3A : i32
      "tpu.region"() ({
        %run_scoped3A = tpu.sem_alloc : memref<!tpu.dma_semaphore, #tpu.memory_space<semaphore_mem>>
        %dma_start3A = tpu.memref_slice %arg7[%mul3A_52] : memref<10240xf32, #tpu.memory_space<vmem_shared>> -> memref<640xf32, #tpu.memory_space<vmem_shared>>
        %dma_start3A_106 = tpu.memref_slice %arg7[%mul3A_52] : memref<10240xf32, #tpu.memory_space<vmem_shared>> -> memref<640xf32, #tpu.memory_space<vmem_shared>>
        tpu.enqueue_dma source(%arg6 : memref<640xf32, #tpu.memory_space<vmem>>) target(%dma_start3A_106 : memref<640xf32, #tpu.memory_space<vmem_shared>>) target_semaphore(%run_scoped3A : memref<!tpu.dma_semaphore, #tpu.memory_space<semaphore_mem>>)
        %dma_wait3A = tpu.memref_slice %arg7[%mul3A_52] : memref<10240xf32, #tpu.memory_space<vmem_shared>> -> memref<640xf32, #tpu.memory_space<vmem_shared>>
        %dma_wait3A_107 = tpu.memref_slice %arg7[%mul3A_52] : memref<10240xf32, #tpu.memory_space<vmem_shared>> -> memref<640xf32, #tpu.memory_space<vmem_shared>>
        tpu.wait_dma2 semaphore(%run_scoped3A : memref<!tpu.dma_semaphore, #tpu.memory_space<semaphore_mem>>) src(%arg6 : memref<640xf32, #tpu.memory_space<vmem>>) dst(%dma_wait3A_107 : memref<640xf32, #tpu.memory_space<vmem_shared>>)
        tpu.yield
      }) : () -> ()
      %barrier3A = arith.constant 0 : index
      tpu.barrier barrier_id(%barrier3A)
      %mul3A_53 = arith.constant 2500 : i32
      %mul3A_54 = arith.muli %mul3A_53, %arg1 : i32
      %jit3A = arith.constant 16 : i32
      %div3A = arith.divsi %mul3A_54, %jit3A : i32
      %sign3A = arith.constant 0 : i32
      %sign3A_55 = arith.cmpi sgt, %mul3A_54, %sign3A : i32
      %sign3A_56 = arith.extui %sign3A_55 : i1 to i32
      %sign3A_57 = arith.constant 0 : i32
      %sign3A_58 = arith.cmpi slt, %mul3A_54, %sign3A_57 : i32
      %sign3A_59 = arith.extui %sign3A_58 : i1 to i32
      %sign3A_60 = arith.subi %sign3A_56, %sign3A_59 : i32
      %sign3A_61 = arith.constant 0 : i32
      %sign3A_62 = arith.cmpi sgt, %jit3A, %sign3A_61 : i32
      %sign3A_63 = arith.extui %sign3A_62 : i1 to i32
      %sign3A_64 = arith.constant 0 : i32
      %sign3A_65 = arith.cmpi slt, %jit3A, %sign3A_64 : i32
      %sign3A_66 = arith.extui %sign3A_65 : i1 to i32
      %sign3A_67 = arith.subi %sign3A_63, %sign3A_66 : i32
      %ne3A = arith.cmpi ne, %sign3A_60, %sign3A_67 : i32
      %rem3A = arith.remsi %mul3A_54, %jit3A : i32
      %ne3A_68 = arith.constant 0 : i32
      %ne3A_69 = arith.cmpi ne, %rem3A, %ne3A_68 : i32
      %and3A = arith.andi %ne3A, %ne3A_69 : i1
      %sub3A = arith.constant 1 : i32
      %sub3A_70 = arith.subi %div3A, %sub3A : i32
      %select_n3A = arith.select %and3A, %sub3A_70, %div3A : i32
      %add3A = arith.constant 1 : i32
      %add3A_71 = arith.addi %arg1, %add3A : i32
      %mul3A_72 = arith.constant 2500 : i32
      %mul3A_73 = arith.muli %mul3A_72, %add3A_71 : i32
      %jit3A_74 = arith.constant 16 : i32
      %div3A_75 = arith.divsi %mul3A_73, %jit3A_74 : i32
      %sign3A_76 = arith.constant 0 : i32
      %sign3A_77 = arith.cmpi sgt, %mul3A_73, %sign3A_76 : i32
      %sign3A_78 = arith.extui %sign3A_77 : i1 to i32
      %sign3A_79 = arith.constant 0 : i32
      %sign3A_80 = arith.cmpi slt, %mul3A_73, %sign3A_79 : i32
      %sign3A_81 = arith.extui %sign3A_80 : i1 to i32
      %sign3A_82 = arith.subi %sign3A_78, %sign3A_81 : i32
      %sign3A_83 = arith.constant 0 : i32
      %sign3A_84 = arith.cmpi sgt, %jit3A_74, %sign3A_83 : i32
      %sign3A_85 = arith.extui %sign3A_84 : i1 to i32
      %sign3A_86 = arith.constant 0 : i32
      %sign3A_87 = arith.cmpi slt, %jit3A_74, %sign3A_86 : i32
      %sign3A_88 = arith.extui %sign3A_87 : i1 to i32
      %sign3A_89 = arith.subi %sign3A_85, %sign3A_88 : i32
      %ne3A_90 = arith.cmpi ne, %sign3A_82, %sign3A_89 : i32
      %rem3A_91 = arith.remsi %mul3A_73, %jit3A_74 : i32
      %ne3A_92 = arith.constant 0 : i32
      %ne3A_93 = arith.cmpi ne, %rem3A_91, %ne3A_92 : i32
      %and3A_94 = arith.andi %ne3A_90, %ne3A_93 : i1
      %sub3A_95 = arith.constant 1 : i32
      %sub3A_96 = arith.subi %div3A_75, %sub3A_95 : i32
      %select_n3A_97 = arith.select %and3A_94, %sub3A_96, %div3A_75 : i32
      %while3A = arith.subi %select_n3A_97, %select_n3A : i32
      %while3A_98 = arith.addi %select_n3A, %while3A : i32
      %while3A_99 = arith.constant 1 : i32
      %while3A_100 = arith.divsi %while3A, %while3A_99 : i32
      %while3A_101 = arith.muli %while3A_100, %while3A_99 : i32
      %while3A_102 = arith.addi %select_n3A, %while3A_101 : i32
      %while3A_103 = arith.constant 1 : i32
      scf.for %while3A_106 = %select_n3A to %while3A_102 step %while3A_103  : i32 {
        %mul3A_107 = arith.constant 128 : i32
        %mul3A_108 = arith.muli %while3A_106, %mul3A_107 : i32
        "tpu.region"() ({
          %run_scoped3A = tpu.sem_alloc : memref<!tpu.dma_semaphore, #tpu.memory_space<semaphore_mem>>
          %dma_start3A = tpu.memref_slice %arg2[%mul3A_108] : memref<320000xi32, #tpu.memory_space<hbm>> -> memref<128xi32, #tpu.memory_space<hbm>>
          %dma_start3A_109 = tpu.memref_slice %arg2[%mul3A_108] : memref<320000xi32, #tpu.memory_space<hbm>> -> memref<128xi32, #tpu.memory_space<hbm>>
          tpu.enqueue_dma source(%dma_start3A_109 : memref<128xi32, #tpu.memory_space<hbm>>) target(%arg4 : memref<128xi32, #tpu.memory_space<vmem>>) target_semaphore(%run_scoped3A : memref<!tpu.dma_semaphore, #tpu.memory_space<semaphore_mem>>)
          %dma_wait3A = tpu.memref_slice %arg2[%mul3A_108] : memref<320000xi32, #tpu.memory_space<hbm>> -> memref<128xi32, #tpu.memory_space<hbm>>
          %dma_wait3A_110 = tpu.memref_slice %arg2[%mul3A_108] : memref<320000xi32, #tpu.memory_space<hbm>> -> memref<128xi32, #tpu.memory_space<hbm>>
          tpu.wait_dma2 semaphore(%run_scoped3A : memref<!tpu.dma_semaphore, #tpu.memory_space<semaphore_mem>>) src(%dma_wait3A_110 : memref<128xi32, #tpu.memory_space<hbm>>) dst(%arg4 : memref<128xi32, #tpu.memory_space<vmem>>)
          tpu.yield
        }) : () -> ()
        "tpu.region"() ({
          %run_scoped3A = tpu.sem_alloc : memref<!tpu.dma_semaphore, #tpu.memory_space<semaphore_mem>>
          %dma_start3A = arith.constant 0 : i32
          %dma_start3A_109 = tpu.memref_slice %arg7[%dma_start3A] : memref<10240xf32, #tpu.memory_space<vmem_shared>> -> memref<10240xf32, #tpu.memory_space<vmem_shared>>
          tpu.enqueue_indirect_dma source(%arg5 : memref<128xf32, #tpu.memory_space<vmem>>) target(%dma_start3A_109 : memref<10240xf32, #tpu.memory_space<vmem_shared>>) offsets(%arg4 : memref<128xi32, #tpu.memory_space<vmem>>) semaphore(%run_scoped3A : memref<!tpu.dma_semaphore, #tpu.memory_space<semaphore_mem>>) {add = true}
          %dma_wait3A = arith.constant 0 : i32
          %dma_wait3A_110 = tpu.memref_slice %arg7[%dma_wait3A] : memref<10240xf32, #tpu.memory_space<vmem_shared>> -> memref<10240xf32, #tpu.memory_space<vmem_shared>>
          tpu.wait_indirect_dma semaphore(%run_scoped3A : memref<!tpu.dma_semaphore, #tpu.memory_space<semaphore_mem>>) src(%arg5 : memref<128xf32, #tpu.memory_space<vmem>>) dst(%dma_wait3A_110 : memref<10240xf32, #tpu.memory_space<vmem_shared>>)
          tpu.yield
        }) : () -> ()
      }
      %while3A_104 = arith.constant 1 : i32
      scf.for %while3A_106 = %while3A_102 to %while3A_98 step %while3A_104  : i32 {
        %mul3A_107 = arith.constant 128 : i32
        %mul3A_108 = arith.muli %while3A_106, %mul3A_107 : i32
        "tpu.region"() ({
          %run_scoped3A = tpu.sem_alloc : memref<!tpu.dma_semaphore, #tpu.memory_space<semaphore_mem>>
          %dma_start3A = tpu.memref_slice %arg2[%mul3A_108] : memref<320000xi32, #tpu.memory_space<hbm>> -> memref<128xi32, #tpu.memory_space<hbm>>
          %dma_start3A_109 = tpu.memref_slice %arg2[%mul3A_108] : memref<320000xi32, #tpu.memory_space<hbm>> -> memref<128xi32, #tpu.memory_space<hbm>>
          tpu.enqueue_dma source(%dma_start3A_109 : memref<128xi32, #tpu.memory_space<hbm>>) target(%arg4 : memref<128xi32, #tpu.memory_space<vmem>>) target_semaphore(%run_scoped3A : memref<!tpu.dma_semaphore, #tpu.memory_space<semaphore_mem>>)
          %dma_wait3A = tpu.memref_slice %arg2[%mul3A_108] : memref<320000xi32, #tpu.memory_space<hbm>> -> memref<128xi32, #tpu.memory_space<hbm>>
          %dma_wait3A_110 = tpu.memref_slice %arg2[%mul3A_108] : memref<320000xi32, #tpu.memory_space<hbm>> -> memref<128xi32, #tpu.memory_space<hbm>>
          tpu.wait_dma2 semaphore(%run_scoped3A : memref<!tpu.dma_semaphore, #tpu.memory_space<semaphore_mem>>) src(%dma_wait3A_110 : memref<128xi32, #tpu.memory_space<hbm>>) dst(%arg4 : memref<128xi32, #tpu.memory_space<vmem>>)
          tpu.yield
        }) : () -> ()
        "tpu.region"() ({
          %run_scoped3A = tpu.sem_alloc : memref<!tpu.dma_semaphore, #tpu.memory_space<semaphore_mem>>
          %dma_start3A = arith.constant 0 : i32
          %dma_start3A_109 = tpu.memref_slice %arg7[%dma_start3A] : memref<10240xf32, #tpu.memory_space<vmem_shared>> -> memref<10240xf32, #tpu.memory_space<vmem_shared>>
          tpu.enqueue_indirect_dma source(%arg5 : memref<128xf32, #tpu.memory_space<vmem>>) target(%dma_start3A_109 : memref<10240xf32, #tpu.memory_space<vmem_shared>>) offsets(%arg4 : memref<128xi32, #tpu.memory_space<vmem>>) semaphore(%run_scoped3A : memref<!tpu.dma_semaphore, #tpu.memory_space<semaphore_mem>>) {add = true}
          %dma_wait3A = arith.constant 0 : i32
          %dma_wait3A_110 = tpu.memref_slice %arg7[%dma_wait3A] : memref<10240xf32, #tpu.memory_space<vmem_shared>> -> memref<10240xf32, #tpu.memory_space<vmem_shared>>
          tpu.wait_indirect_dma semaphore(%run_scoped3A : memref<!tpu.dma_semaphore, #tpu.memory_space<semaphore_mem>>) src(%arg5 : memref<128xf32, #tpu.memory_space<vmem>>) dst(%dma_wait3A_110 : memref<10240xf32, #tpu.memory_space<vmem_shared>>)
          tpu.yield
        }) : () -> ()
      }
      %barrier3A_105 = arith.constant 0 : index
      tpu.barrier barrier_id(%barrier3A_105)
      "tpu.region"() ({
        %run_scoped3A = tpu.sem_alloc : memref<!tpu.dma_semaphore, #tpu.memory_space<semaphore_mem>>
        %dma_start3A = tpu.memref_slice %arg3[%mul3A_52] : memref<10240xf32, #tpu.memory_space<hbm>> -> memref<640xf32, #tpu.memory_space<hbm>>
        %dma_start3A_106 = tpu.memref_slice %arg7[%mul3A_52] : memref<10240xf32, #tpu.memory_space<vmem_shared>> -> memref<640xf32, #tpu.memory_space<vmem_shared>>
        tpu.enqueue_dma source(%dma_start3A_106 : memref<640xf32, #tpu.memory_space<vmem_shared>>) target(%dma_start3A : memref<640xf32, #tpu.memory_space<hbm>>) target_semaphore(%run_scoped3A : memref<!tpu.dma_semaphore, #tpu.memory_space<semaphore_mem>>)
        %dma_wait3A = tpu.memref_slice %arg3[%mul3A_52] : memref<10240xf32, #tpu.memory_space<hbm>> -> memref<640xf32, #tpu.memory_space<hbm>>
        %dma_wait3A_107 = tpu.memref_slice %arg7[%mul3A_52] : memref<10240xf32, #tpu.memory_space<vmem_shared>> -> memref<640xf32, #tpu.memory_space<vmem_shared>>
        tpu.wait_dma2 semaphore(%run_scoped3A : memref<!tpu.dma_semaphore, #tpu.memory_space<semaphore_mem>>) src(%dma_wait3A_107 : memref<640xf32, #tpu.memory_space<vmem_shared>>) dst(%dma_wait3A : memref<640xf32, #tpu.memory_space<hbm>>)
        tpu.yield
      }) : () -> ()
    } else {
    }
    return
  }
}

#map = affine_map<(d0, d1) -> (0, 0)>
#map1 = affine_map<(d0, d1) -> (0)>
#map2 = affine_map<(d0, d1) -> (0, 0, 0)>
module attributes {stable_mosaic.version = 14 : i64} {
  func.func @_aggregate(%arg0: i32, %arg1: i32, %arg2: memref<10240x128xf32, #tpu.memory_space<hbm>>, %arg3: memref<320000xi32, #tpu.memory_space<hbm>>, %arg4: memref<320000xi32, #tpu.memory_space<hbm>>, %arg5: memref<2x10240x128xf32, #tpu.memory_space<hbm>>, %arg6: memref<128xi32, #tpu.memory_space<vmem>>, %arg7: memref<128xi32, #tpu.memory_space<vmem>>, %arg8: memref<128x128xf32, #tpu.memory_space<vmem>>, %arg9: memref<10240x128xf32, #tpu.memory_space<vmem_shared>>, %arg10: memref<!tpu.dma_semaphore, #tpu.memory_space<semaphore_mem>>) attributes {dimension_semantics = [#tpu.dimension_semantics<core_parallel>, #tpu.dimension_semantics<subcore_parallel>], iteration_bounds = array<i64: 2, 16>, scalar_prefetch = 0 : i64, scratch_operands = 5 : i64, tpu.core_type = #tpu.core_type<sc_vector_subcore>, window_params = [{transform_indices = #map}, {transform_indices = #map1}, {transform_indices = #map1}, {transform_indices = #map2}]} {
    %mul3A = arith.constant 640 : i32
    %mul3A_0 = arith.muli %arg1, %mul3A : i32
    "tpu.region"() ({
      %run_scoped3A = tpu.sem_alloc : memref<!tpu.dma_semaphore, #tpu.memory_space<semaphore_mem>>
      %dma_start3A = arith.constant 0 : i32
      %dma_start3A_57 = tpu.memref_slice %arg9[%mul3A_0, %dma_start3A] : memref<10240x128xf32, #tpu.memory_space<vmem_shared>> -> memref<640x128xf32, #tpu.memory_space<vmem_shared>>
      %dma_start3A_58 = arith.constant 0 : i32
      %dma_start3A_59 = tpu.memref_slice %arg2[%mul3A_0, %dma_start3A_58] : memref<10240x128xf32, #tpu.memory_space<hbm>> -> memref<640x128xf32, #tpu.memory_space<hbm>>
      tpu.enqueue_dma source(%dma_start3A_59 : memref<640x128xf32, #tpu.memory_space<hbm>>) target(%dma_start3A_57 : memref<640x128xf32, #tpu.memory_space<vmem_shared>>) target_semaphore(%run_scoped3A : memref<!tpu.dma_semaphore, #tpu.memory_space<semaphore_mem>>)
      %dma_wait3A = arith.constant 0 : i32
      %dma_wait3A_60 = tpu.memref_slice %arg9[%mul3A_0, %dma_wait3A] : memref<10240x128xf32, #tpu.memory_space<vmem_shared>> -> memref<640x128xf32, #tpu.memory_space<vmem_shared>>
      %dma_wait3A_61 = arith.constant 0 : i32
      %dma_wait3A_62 = tpu.memref_slice %arg2[%mul3A_0, %dma_wait3A_61] : memref<10240x128xf32, #tpu.memory_space<hbm>> -> memref<640x128xf32, #tpu.memory_space<hbm>>
      tpu.wait_dma2 semaphore(%run_scoped3A : memref<!tpu.dma_semaphore, #tpu.memory_space<semaphore_mem>>) src(%dma_wait3A_62 : memref<640x128xf32, #tpu.memory_space<hbm>>) dst(%dma_wait3A_60 : memref<640x128xf32, #tpu.memory_space<vmem_shared>>)
      tpu.yield
    }) : () -> ()
    %barrier3A = arith.constant 0 : index
    tpu.barrier barrier_id(%barrier3A)
    %mul3A_1 = arith.constant 16 : i32
    %mul3A_2 = arith.muli %arg0, %mul3A_1 : i32
    %add3A = arith.addi %mul3A_2, %arg1 : i32
    %mul3A_3 = arith.constant 2500 : i32
    %mul3A_4 = arith.muli %mul3A_3, %add3A : i32
    %jit3A = arith.constant 32 : i32
    %div3A = arith.divsi %mul3A_4, %jit3A : i32
    %sign3A = arith.constant 0 : i32
    %sign3A_5 = arith.cmpi sgt, %mul3A_4, %sign3A : i32
    %sign3A_6 = arith.extui %sign3A_5 : i1 to i32
    %sign3A_7 = arith.constant 0 : i32
    %sign3A_8 = arith.cmpi slt, %mul3A_4, %sign3A_7 : i32
    %sign3A_9 = arith.extui %sign3A_8 : i1 to i32
    %sign3A_10 = arith.subi %sign3A_6, %sign3A_9 : i32
    %sign3A_11 = arith.constant 0 : i32
    %sign3A_12 = arith.cmpi sgt, %jit3A, %sign3A_11 : i32
    %sign3A_13 = arith.extui %sign3A_12 : i1 to i32
    %sign3A_14 = arith.constant 0 : i32
    %sign3A_15 = arith.cmpi slt, %jit3A, %sign3A_14 : i32
    %sign3A_16 = arith.extui %sign3A_15 : i1 to i32
    %sign3A_17 = arith.subi %sign3A_13, %sign3A_16 : i32
    %ne3A = arith.cmpi ne, %sign3A_10, %sign3A_17 : i32
    %rem3A = arith.remsi %mul3A_4, %jit3A : i32
    %ne3A_18 = arith.constant 0 : i32
    %ne3A_19 = arith.cmpi ne, %rem3A, %ne3A_18 : i32
    %and3A = arith.andi %ne3A, %ne3A_19 : i1
    %sub3A = arith.constant 1 : i32
    %sub3A_20 = arith.subi %div3A, %sub3A : i32
    %select_n3A = arith.select %and3A, %sub3A_20, %div3A : i32
    %add3A_21 = arith.constant 1 : i32
    %add3A_22 = arith.addi %add3A, %add3A_21 : i32
    %mul3A_23 = arith.constant 2500 : i32
    %mul3A_24 = arith.muli %mul3A_23, %add3A_22 : i32
    %jit3A_25 = arith.constant 32 : i32
    %div3A_26 = arith.divsi %mul3A_24, %jit3A_25 : i32
    %sign3A_27 = arith.constant 0 : i32
    %sign3A_28 = arith.cmpi sgt, %mul3A_24, %sign3A_27 : i32
    %sign3A_29 = arith.extui %sign3A_28 : i1 to i32
    %sign3A_30 = arith.constant 0 : i32
    %sign3A_31 = arith.cmpi slt, %mul3A_24, %sign3A_30 : i32
    %sign3A_32 = arith.extui %sign3A_31 : i1 to i32
    %sign3A_33 = arith.subi %sign3A_29, %sign3A_32 : i32
    %sign3A_34 = arith.constant 0 : i32
    %sign3A_35 = arith.cmpi sgt, %jit3A_25, %sign3A_34 : i32
    %sign3A_36 = arith.extui %sign3A_35 : i1 to i32
    %sign3A_37 = arith.constant 0 : i32
    %sign3A_38 = arith.cmpi slt, %jit3A_25, %sign3A_37 : i32
    %sign3A_39 = arith.extui %sign3A_38 : i1 to i32
    %sign3A_40 = arith.subi %sign3A_36, %sign3A_39 : i32
    %ne3A_41 = arith.cmpi ne, %sign3A_33, %sign3A_40 : i32
    %rem3A_42 = arith.remsi %mul3A_24, %jit3A_25 : i32
    %ne3A_43 = arith.constant 0 : i32
    %ne3A_44 = arith.cmpi ne, %rem3A_42, %ne3A_43 : i32
    %and3A_45 = arith.andi %ne3A_41, %ne3A_44 : i1
    %sub3A_46 = arith.constant 1 : i32
    %sub3A_47 = arith.subi %div3A_26, %sub3A_46 : i32
    %select_n3A_48 = arith.select %and3A_45, %sub3A_47, %div3A_26 : i32
    %while3A = arith.subi %select_n3A_48, %select_n3A : i32
    %while3A_49 = arith.addi %select_n3A, %while3A : i32
    %while3A_50 = arith.constant 1 : i32
    %while3A_51 = arith.divsi %while3A, %while3A_50 : i32
    %while3A_52 = arith.muli %while3A_51, %while3A_50 : i32
    %while3A_53 = arith.addi %select_n3A, %while3A_52 : i32
    %while3A_54 = arith.constant 1 : i32
    scf.for %while3A_57 = %select_n3A to %while3A_53 step %while3A_54  : i32 {
      %mul3A_58 = arith.constant 128 : i32
      %mul3A_59 = arith.muli %while3A_57, %mul3A_58 : i32
      "tpu.region"() ({
        %run_scoped3A = tpu.sem_alloc : memref<!tpu.dma_semaphore, #tpu.memory_space<semaphore_mem>>
        %dma_start3A_64 = tpu.memref_slice %arg3[%mul3A_59] : memref<320000xi32, #tpu.memory_space<hbm>> -> memref<128xi32, #tpu.memory_space<hbm>>
        %dma_start3A_65 = tpu.memref_slice %arg3[%mul3A_59] : memref<320000xi32, #tpu.memory_space<hbm>> -> memref<128xi32, #tpu.memory_space<hbm>>
        tpu.enqueue_dma source(%dma_start3A_65 : memref<128xi32, #tpu.memory_space<hbm>>) target(%arg6 : memref<128xi32, #tpu.memory_space<vmem>>) target_semaphore(%run_scoped3A : memref<!tpu.dma_semaphore, #tpu.memory_space<semaphore_mem>>)
        %dma_wait3A_66 = tpu.memref_slice %arg3[%mul3A_59] : memref<320000xi32, #tpu.memory_space<hbm>> -> memref<128xi32, #tpu.memory_space<hbm>>
        %dma_wait3A_67 = tpu.memref_slice %arg3[%mul3A_59] : memref<320000xi32, #tpu.memory_space<hbm>> -> memref<128xi32, #tpu.memory_space<hbm>>
        tpu.wait_dma2 semaphore(%run_scoped3A : memref<!tpu.dma_semaphore, #tpu.memory_space<semaphore_mem>>) src(%dma_wait3A_67 : memref<128xi32, #tpu.memory_space<hbm>>) dst(%arg6 : memref<128xi32, #tpu.memory_space<vmem>>)
        tpu.yield
      }) : () -> ()
      "tpu.region"() ({
        %run_scoped3A = tpu.sem_alloc : memref<!tpu.dma_semaphore, #tpu.memory_space<semaphore_mem>>
        %dma_start3A_64 = tpu.memref_slice %arg4[%mul3A_59] : memref<320000xi32, #tpu.memory_space<hbm>> -> memref<128xi32, #tpu.memory_space<hbm>>
        %dma_start3A_65 = tpu.memref_slice %arg4[%mul3A_59] : memref<320000xi32, #tpu.memory_space<hbm>> -> memref<128xi32, #tpu.memory_space<hbm>>
        tpu.enqueue_dma source(%dma_start3A_65 : memref<128xi32, #tpu.memory_space<hbm>>) target(%arg7 : memref<128xi32, #tpu.memory_space<vmem>>) target_semaphore(%run_scoped3A : memref<!tpu.dma_semaphore, #tpu.memory_space<semaphore_mem>>)
        %dma_wait3A_66 = tpu.memref_slice %arg4[%mul3A_59] : memref<320000xi32, #tpu.memory_space<hbm>> -> memref<128xi32, #tpu.memory_space<hbm>>
        %dma_wait3A_67 = tpu.memref_slice %arg4[%mul3A_59] : memref<320000xi32, #tpu.memory_space<hbm>> -> memref<128xi32, #tpu.memory_space<hbm>>
        tpu.wait_dma2 semaphore(%run_scoped3A : memref<!tpu.dma_semaphore, #tpu.memory_space<semaphore_mem>>) src(%dma_wait3A_67 : memref<128xi32, #tpu.memory_space<hbm>>) dst(%arg7 : memref<128xi32, #tpu.memory_space<vmem>>)
        tpu.yield
      }) : () -> ()
      %dma_start3A = arith.constant 0 : i32
      %dma_start3A_60 = arith.constant 0 : i32
      %dma_start3A_61 = tpu.memref_slice %arg2[%dma_start3A, %dma_start3A_60] : memref<10240x128xf32, #tpu.memory_space<hbm>> -> memref<10240x128xf32, #tpu.memory_space<hbm>>
      tpu.enqueue_indirect_dma source(%dma_start3A_61 : memref<10240x128xf32, #tpu.memory_space<hbm>>) target(%arg8 : memref<128x128xf32, #tpu.memory_space<vmem>>) offsets(%arg6 : memref<128xi32, #tpu.memory_space<vmem>>) semaphore(%arg10 : memref<!tpu.dma_semaphore, #tpu.memory_space<semaphore_mem>>)
      %dma_wait3A = arith.constant 0 : i32
      %dma_wait3A_62 = arith.constant 0 : i32
      %dma_wait3A_63 = tpu.memref_slice %arg2[%dma_wait3A, %dma_wait3A_62] : memref<10240x128xf32, #tpu.memory_space<hbm>> -> memref<10240x128xf32, #tpu.memory_space<hbm>>
      tpu.wait_indirect_dma semaphore(%arg10 : memref<!tpu.dma_semaphore, #tpu.memory_space<semaphore_mem>>) src(%dma_wait3A_63 : memref<10240x128xf32, #tpu.memory_space<hbm>>) dst(%arg8 : memref<128x128xf32, #tpu.memory_space<vmem>>)
      "tpu.region"() ({
        %run_scoped3A = tpu.sem_alloc : memref<!tpu.dma_semaphore, #tpu.memory_space<semaphore_mem>>
        %dma_start3A_64 = arith.constant 0 : i32
        %dma_start3A_65 = arith.constant 0 : i32
        %dma_start3A_66 = tpu.memref_slice %arg9[%dma_start3A_64, %dma_start3A_65] : memref<10240x128xf32, #tpu.memory_space<vmem_shared>> -> memref<10240x128xf32, #tpu.memory_space<vmem_shared>>
        tpu.enqueue_indirect_dma source(%arg8 : memref<128x128xf32, #tpu.memory_space<vmem>>) target(%dma_start3A_66 : memref<10240x128xf32, #tpu.memory_space<vmem_shared>>) offsets(%arg7 : memref<128xi32, #tpu.memory_space<vmem>>) semaphore(%run_scoped3A : memref<!tpu.dma_semaphore, #tpu.memory_space<semaphore_mem>>) {add = true}
        %dma_wait3A_67 = arith.constant 0 : i32
        %dma_wait3A_68 = arith.constant 0 : i32
        %dma_wait3A_69 = tpu.memref_slice %arg9[%dma_wait3A_67, %dma_wait3A_68] : memref<10240x128xf32, #tpu.memory_space<vmem_shared>> -> memref<10240x128xf32, #tpu.memory_space<vmem_shared>>
        tpu.wait_indirect_dma semaphore(%run_scoped3A : memref<!tpu.dma_semaphore, #tpu.memory_space<semaphore_mem>>) src(%arg8 : memref<128x128xf32, #tpu.memory_space<vmem>>) dst(%dma_wait3A_69 : memref<10240x128xf32, #tpu.memory_space<vmem_shared>>)
        tpu.yield
      }) : () -> ()
    }
    %while3A_55 = arith.constant 1 : i32
    scf.for %while3A_57 = %while3A_53 to %while3A_49 step %while3A_55  : i32 {
      %mul3A_58 = arith.constant 128 : i32
      %mul3A_59 = arith.muli %while3A_57, %mul3A_58 : i32
      "tpu.region"() ({
        %run_scoped3A = tpu.sem_alloc : memref<!tpu.dma_semaphore, #tpu.memory_space<semaphore_mem>>
        %dma_start3A_64 = tpu.memref_slice %arg3[%mul3A_59] : memref<320000xi32, #tpu.memory_space<hbm>> -> memref<128xi32, #tpu.memory_space<hbm>>
        %dma_start3A_65 = tpu.memref_slice %arg3[%mul3A_59] : memref<320000xi32, #tpu.memory_space<hbm>> -> memref<128xi32, #tpu.memory_space<hbm>>
        tpu.enqueue_dma source(%dma_start3A_65 : memref<128xi32, #tpu.memory_space<hbm>>) target(%arg6 : memref<128xi32, #tpu.memory_space<vmem>>) target_semaphore(%run_scoped3A : memref<!tpu.dma_semaphore, #tpu.memory_space<semaphore_mem>>)
        %dma_wait3A_66 = tpu.memref_slice %arg3[%mul3A_59] : memref<320000xi32, #tpu.memory_space<hbm>> -> memref<128xi32, #tpu.memory_space<hbm>>
        %dma_wait3A_67 = tpu.memref_slice %arg3[%mul3A_59] : memref<320000xi32, #tpu.memory_space<hbm>> -> memref<128xi32, #tpu.memory_space<hbm>>
        tpu.wait_dma2 semaphore(%run_scoped3A : memref<!tpu.dma_semaphore, #tpu.memory_space<semaphore_mem>>) src(%dma_wait3A_67 : memref<128xi32, #tpu.memory_space<hbm>>) dst(%arg6 : memref<128xi32, #tpu.memory_space<vmem>>)
        tpu.yield
      }) : () -> ()
      "tpu.region"() ({
        %run_scoped3A = tpu.sem_alloc : memref<!tpu.dma_semaphore, #tpu.memory_space<semaphore_mem>>
        %dma_start3A_64 = tpu.memref_slice %arg4[%mul3A_59] : memref<320000xi32, #tpu.memory_space<hbm>> -> memref<128xi32, #tpu.memory_space<hbm>>
        %dma_start3A_65 = tpu.memref_slice %arg4[%mul3A_59] : memref<320000xi32, #tpu.memory_space<hbm>> -> memref<128xi32, #tpu.memory_space<hbm>>
        tpu.enqueue_dma source(%dma_start3A_65 : memref<128xi32, #tpu.memory_space<hbm>>) target(%arg7 : memref<128xi32, #tpu.memory_space<vmem>>) target_semaphore(%run_scoped3A : memref<!tpu.dma_semaphore, #tpu.memory_space<semaphore_mem>>)
        %dma_wait3A_66 = tpu.memref_slice %arg4[%mul3A_59] : memref<320000xi32, #tpu.memory_space<hbm>> -> memref<128xi32, #tpu.memory_space<hbm>>
        %dma_wait3A_67 = tpu.memref_slice %arg4[%mul3A_59] : memref<320000xi32, #tpu.memory_space<hbm>> -> memref<128xi32, #tpu.memory_space<hbm>>
        tpu.wait_dma2 semaphore(%run_scoped3A : memref<!tpu.dma_semaphore, #tpu.memory_space<semaphore_mem>>) src(%dma_wait3A_67 : memref<128xi32, #tpu.memory_space<hbm>>) dst(%arg7 : memref<128xi32, #tpu.memory_space<vmem>>)
        tpu.yield
      }) : () -> ()
      %dma_start3A = arith.constant 0 : i32
      %dma_start3A_60 = arith.constant 0 : i32
      %dma_start3A_61 = tpu.memref_slice %arg2[%dma_start3A, %dma_start3A_60] : memref<10240x128xf32, #tpu.memory_space<hbm>> -> memref<10240x128xf32, #tpu.memory_space<hbm>>
      tpu.enqueue_indirect_dma source(%dma_start3A_61 : memref<10240x128xf32, #tpu.memory_space<hbm>>) target(%arg8 : memref<128x128xf32, #tpu.memory_space<vmem>>) offsets(%arg6 : memref<128xi32, #tpu.memory_space<vmem>>) semaphore(%arg10 : memref<!tpu.dma_semaphore, #tpu.memory_space<semaphore_mem>>)
      %dma_wait3A = arith.constant 0 : i32
      %dma_wait3A_62 = arith.constant 0 : i32
      %dma_wait3A_63 = tpu.memref_slice %arg2[%dma_wait3A, %dma_wait3A_62] : memref<10240x128xf32, #tpu.memory_space<hbm>> -> memref<10240x128xf32, #tpu.memory_space<hbm>>
      tpu.wait_indirect_dma semaphore(%arg10 : memref<!tpu.dma_semaphore, #tpu.memory_space<semaphore_mem>>) src(%dma_wait3A_63 : memref<10240x128xf32, #tpu.memory_space<hbm>>) dst(%arg8 : memref<128x128xf32, #tpu.memory_space<vmem>>)
      "tpu.region"() ({
        %run_scoped3A = tpu.sem_alloc : memref<!tpu.dma_semaphore, #tpu.memory_space<semaphore_mem>>
        %dma_start3A_64 = arith.constant 0 : i32
        %dma_start3A_65 = arith.constant 0 : i32
        %dma_start3A_66 = tpu.memref_slice %arg9[%dma_start3A_64, %dma_start3A_65] : memref<10240x128xf32, #tpu.memory_space<vmem_shared>> -> memref<10240x128xf32, #tpu.memory_space<vmem_shared>>
        tpu.enqueue_indirect_dma source(%arg8 : memref<128x128xf32, #tpu.memory_space<vmem>>) target(%dma_start3A_66 : memref<10240x128xf32, #tpu.memory_space<vmem_shared>>) offsets(%arg7 : memref<128xi32, #tpu.memory_space<vmem>>) semaphore(%run_scoped3A : memref<!tpu.dma_semaphore, #tpu.memory_space<semaphore_mem>>) {add = true}
        %dma_wait3A_67 = arith.constant 0 : i32
        %dma_wait3A_68 = arith.constant 0 : i32
        %dma_wait3A_69 = tpu.memref_slice %arg9[%dma_wait3A_67, %dma_wait3A_68] : memref<10240x128xf32, #tpu.memory_space<vmem_shared>> -> memref<10240x128xf32, #tpu.memory_space<vmem_shared>>
        tpu.wait_indirect_dma semaphore(%run_scoped3A : memref<!tpu.dma_semaphore, #tpu.memory_space<semaphore_mem>>) src(%arg8 : memref<128x128xf32, #tpu.memory_space<vmem>>) dst(%dma_wait3A_69 : memref<10240x128xf32, #tpu.memory_space<vmem_shared>>)
        tpu.yield
      }) : () -> ()
    }
    %barrier3A_56 = arith.constant 0 : index
    tpu.barrier barrier_id(%barrier3A_56)
    "tpu.region"() ({
      %run_scoped3A = tpu.sem_alloc : memref<!tpu.dma_semaphore, #tpu.memory_space<semaphore_mem>>
      %dma_start3A = arith.constant 0 : i32
      %dma_start3A_57 = tpu.memref_slice %arg5[%arg0, %mul3A_0, %dma_start3A] : memref<2x10240x128xf32, #tpu.memory_space<hbm>> -> memref<1x640x128xf32, #tpu.memory_space<hbm>>
      %dma_start3A_58 = tpu.memref_squeeze %dma_start3A_57 : memref<1x640x128xf32, #tpu.memory_space<hbm>> -> memref<640x128xf32, #tpu.memory_space<hbm>>
      %dma_start3A_59 = arith.constant 0 : i32
      %dma_start3A_60 = tpu.memref_slice %arg9[%mul3A_0, %dma_start3A_59] : memref<10240x128xf32, #tpu.memory_space<vmem_shared>> -> memref<640x128xf32, #tpu.memory_space<vmem_shared>>
      tpu.enqueue_dma source(%dma_start3A_60 : memref<640x128xf32, #tpu.memory_space<vmem_shared>>) target(%dma_start3A_58 : memref<640x128xf32, #tpu.memory_space<hbm>>) target_semaphore(%run_scoped3A : memref<!tpu.dma_semaphore, #tpu.memory_space<semaphore_mem>>)
      %dma_wait3A = arith.constant 0 : i32
      %dma_wait3A_61 = tpu.memref_slice %arg5[%arg0, %mul3A_0, %dma_wait3A] : memref<2x10240x128xf32, #tpu.memory_space<hbm>> -> memref<1x640x128xf32, #tpu.memory_space<hbm>>
      %dma_wait3A_62 = tpu.memref_squeeze %dma_wait3A_61 : memref<1x640x128xf32, #tpu.memory_space<hbm>> -> memref<640x128xf32, #tpu.memory_space<hbm>>
      %dma_wait3A_63 = arith.constant 0 : i32
      %dma_wait3A_64 = tpu.memref_slice %arg9[%mul3A_0, %dma_wait3A_63] : memref<10240x128xf32, #tpu.memory_space<vmem_shared>> -> memref<640x128xf32, #tpu.memory_space<vmem_shared>>
      tpu.wait_dma2 semaphore(%run_scoped3A : memref<!tpu.dma_semaphore, #tpu.memory_space<semaphore_mem>>) src(%dma_wait3A_64 : memref<640x128xf32, #tpu.memory_space<vmem_shared>>) dst(%dma_wait3A_62 : memref<640x128xf32, #tpu.memory_space<hbm>>)
      tpu.yield
    }) : () -> ()
    return
  }
}

#map = affine_map<(d0, d1) -> (0, 0)>
#map1 = affine_map<(d0, d1) -> (0)>
#map2 = affine_map<(d0, d1) -> (0, 0, 0)>
module attributes {stable_mosaic.version = 14 : i64} {
  func.func @_aggregate(%arg0: i32, %arg1: i32, %arg2: memref<10240x128xf32, #tpu.memory_space<hbm>>, %arg3: memref<320000xi32, #tpu.memory_space<hbm>>, %arg4: memref<320000xi32, #tpu.memory_space<hbm>>, %arg5: memref<2x10240x128xf32, #tpu.memory_space<hbm>>, %arg6: memref<128xi32, #tpu.memory_space<vmem>>, %arg7: memref<128xi32, #tpu.memory_space<vmem>>, %arg8: memref<128x128xf32, #tpu.memory_space<vmem>>, %arg9: memref<10240x128xf32, #tpu.memory_space<vmem_shared>>, %arg10: memref<!tpu.dma_semaphore, #tpu.memory_space<semaphore_mem>>) attributes {dimension_semantics = [#tpu.dimension_semantics<core_parallel>, #tpu.dimension_semantics<subcore_parallel>], iteration_bounds = array<i64: 2, 16>, scalar_prefetch = 0 : i64, scratch_operands = 5 : i64, tpu.core_type = #tpu.core_type<sc_vector_subcore>, window_params = [{transform_indices = #map}, {transform_indices = #map1}, {transform_indices = #map1}, {transform_indices = #map2}]} {
    %mul3A = arith.constant 640 : i32
    %mul3A_0 = arith.muli %arg1, %mul3A : i32
    "tpu.region"() ({
      %run_scoped3A = tpu.sem_alloc : memref<!tpu.dma_semaphore, #tpu.memory_space<semaphore_mem>>
      %dma_start3A = arith.constant 0 : i32
      %dma_start3A_57 = tpu.memref_slice %arg9[%mul3A_0, %dma_start3A] : memref<10240x128xf32, #tpu.memory_space<vmem_shared>> -> memref<640x128xf32, #tpu.memory_space<vmem_shared>>
      %dma_start3A_58 = arith.constant 0 : i32
      %dma_start3A_59 = tpu.memref_slice %arg2[%mul3A_0, %dma_start3A_58] : memref<10240x128xf32, #tpu.memory_space<hbm>> -> memref<640x128xf32, #tpu.memory_space<hbm>>
      tpu.enqueue_dma source(%dma_start3A_59 : memref<640x128xf32, #tpu.memory_space<hbm>>) target(%dma_start3A_57 : memref<640x128xf32, #tpu.memory_space<vmem_shared>>) target_semaphore(%run_scoped3A : memref<!tpu.dma_semaphore, #tpu.memory_space<semaphore_mem>>)
      %dma_wait3A = arith.constant 0 : i32
      %dma_wait3A_60 = tpu.memref_slice %arg9[%mul3A_0, %dma_wait3A] : memref<10240x128xf32, #tpu.memory_space<vmem_shared>> -> memref<640x128xf32, #tpu.memory_space<vmem_shared>>
      %dma_wait3A_61 = arith.constant 0 : i32
      %dma_wait3A_62 = tpu.memref_slice %arg2[%mul3A_0, %dma_wait3A_61] : memref<10240x128xf32, #tpu.memory_space<hbm>> -> memref<640x128xf32, #tpu.memory_space<hbm>>
      tpu.wait_dma2 semaphore(%run_scoped3A : memref<!tpu.dma_semaphore, #tpu.memory_space<semaphore_mem>>) src(%dma_wait3A_62 : memref<640x128xf32, #tpu.memory_space<hbm>>) dst(%dma_wait3A_60 : memref<640x128xf32, #tpu.memory_space<vmem_shared>>)
      tpu.yield
    }) : () -> ()
    %barrier3A = arith.constant 0 : index
    tpu.barrier barrier_id(%barrier3A)
    %mul3A_1 = arith.constant 16 : i32
    %mul3A_2 = arith.muli %arg0, %mul3A_1 : i32
    %add3A = arith.addi %mul3A_2, %arg1 : i32
    %mul3A_3 = arith.constant 2500 : i32
    %mul3A_4 = arith.muli %mul3A_3, %add3A : i32
    %jit3A = arith.constant 32 : i32
    %div3A = arith.divsi %mul3A_4, %jit3A : i32
    %sign3A = arith.constant 0 : i32
    %sign3A_5 = arith.cmpi sgt, %mul3A_4, %sign3A : i32
    %sign3A_6 = arith.extui %sign3A_5 : i1 to i32
    %sign3A_7 = arith.constant 0 : i32
    %sign3A_8 = arith.cmpi slt, %mul3A_4, %sign3A_7 : i32
    %sign3A_9 = arith.extui %sign3A_8 : i1 to i32
    %sign3A_10 = arith.subi %sign3A_6, %sign3A_9 : i32
    %sign3A_11 = arith.constant 0 : i32
    %sign3A_12 = arith.cmpi sgt, %jit3A, %sign3A_11 : i32
    %sign3A_13 = arith.extui %sign3A_12 : i1 to i32
    %sign3A_14 = arith.constant 0 : i32
    %sign3A_15 = arith.cmpi slt, %jit3A, %sign3A_14 : i32
    %sign3A_16 = arith.extui %sign3A_15 : i1 to i32
    %sign3A_17 = arith.subi %sign3A_13, %sign3A_16 : i32
    %ne3A = arith.cmpi ne, %sign3A_10, %sign3A_17 : i32
    %rem3A = arith.remsi %mul3A_4, %jit3A : i32
    %ne3A_18 = arith.constant 0 : i32
    %ne3A_19 = arith.cmpi ne, %rem3A, %ne3A_18 : i32
    %and3A = arith.andi %ne3A, %ne3A_19 : i1
    %sub3A = arith.constant 1 : i32
    %sub3A_20 = arith.subi %div3A, %sub3A : i32
    %select_n3A = arith.select %and3A, %sub3A_20, %div3A : i32
    %add3A_21 = arith.constant 1 : i32
    %add3A_22 = arith.addi %add3A, %add3A_21 : i32
    %mul3A_23 = arith.constant 2500 : i32
    %mul3A_24 = arith.muli %mul3A_23, %add3A_22 : i32
    %jit3A_25 = arith.constant 32 : i32
    %div3A_26 = arith.divsi %mul3A_24, %jit3A_25 : i32
    %sign3A_27 = arith.constant 0 : i32
    %sign3A_28 = arith.cmpi sgt, %mul3A_24, %sign3A_27 : i32
    %sign3A_29 = arith.extui %sign3A_28 : i1 to i32
    %sign3A_30 = arith.constant 0 : i32
    %sign3A_31 = arith.cmpi slt, %mul3A_24, %sign3A_30 : i32
    %sign3A_32 = arith.extui %sign3A_31 : i1 to i32
    %sign3A_33 = arith.subi %sign3A_29, %sign3A_32 : i32
    %sign3A_34 = arith.constant 0 : i32
    %sign3A_35 = arith.cmpi sgt, %jit3A_25, %sign3A_34 : i32
    %sign3A_36 = arith.extui %sign3A_35 : i1 to i32
    %sign3A_37 = arith.constant 0 : i32
    %sign3A_38 = arith.cmpi slt, %jit3A_25, %sign3A_37 : i32
    %sign3A_39 = arith.extui %sign3A_38 : i1 to i32
    %sign3A_40 = arith.subi %sign3A_36, %sign3A_39 : i32
    %ne3A_41 = arith.cmpi ne, %sign3A_33, %sign3A_40 : i32
    %rem3A_42 = arith.remsi %mul3A_24, %jit3A_25 : i32
    %ne3A_43 = arith.constant 0 : i32
    %ne3A_44 = arith.cmpi ne, %rem3A_42, %ne3A_43 : i32
    %and3A_45 = arith.andi %ne3A_41, %ne3A_44 : i1
    %sub3A_46 = arith.constant 1 : i32
    %sub3A_47 = arith.subi %div3A_26, %sub3A_46 : i32
    %select_n3A_48 = arith.select %and3A_45, %sub3A_47, %div3A_26 : i32
    %while3A = arith.subi %select_n3A_48, %select_n3A : i32
    %while3A_49 = arith.addi %select_n3A, %while3A : i32
    %while3A_50 = arith.constant 1 : i32
    %while3A_51 = arith.divsi %while3A, %while3A_50 : i32
    %while3A_52 = arith.muli %while3A_51, %while3A_50 : i32
    %while3A_53 = arith.addi %select_n3A, %while3A_52 : i32
    %while3A_54 = arith.constant 1 : i32
    scf.for %while3A_57 = %select_n3A to %while3A_53 step %while3A_54  : i32 {
      %mul3A_58 = arith.constant 128 : i32
      %mul3A_59 = arith.muli %while3A_57, %mul3A_58 : i32
      "tpu.region"() ({
        %run_scoped3A = tpu.sem_alloc : memref<!tpu.dma_semaphore, #tpu.memory_space<semaphore_mem>>
        %dma_start3A_64 = tpu.memref_slice %arg3[%mul3A_59] : memref<320000xi32, #tpu.memory_space<hbm>> -> memref<128xi32, #tpu.memory_space<hbm>>
        %dma_start3A_65 = tpu.memref_slice %arg3[%mul3A_59] : memref<320000xi32, #tpu.memory_space<hbm>> -> memref<128xi32, #tpu.memory_space<hbm>>
        tpu.enqueue_dma source(%dma_start3A_65 : memref<128xi32, #tpu.memory_space<hbm>>) target(%arg6 : memref<128xi32, #tpu.memory_space<vmem>>) target_semaphore(%run_scoped3A : memref<!tpu.dma_semaphore, #tpu.memory_space<semaphore_mem>>)
        %dma_wait3A_66 = tpu.memref_slice %arg3[%mul3A_59] : memref<320000xi32, #tpu.memory_space<hbm>> -> memref<128xi32, #tpu.memory_space<hbm>>
        %dma_wait3A_67 = tpu.memref_slice %arg3[%mul3A_59] : memref<320000xi32, #tpu.memory_space<hbm>> -> memref<128xi32, #tpu.memory_space<hbm>>
        tpu.wait_dma2 semaphore(%run_scoped3A : memref<!tpu.dma_semaphore, #tpu.memory_space<semaphore_mem>>) src(%dma_wait3A_67 : memref<128xi32, #tpu.memory_space<hbm>>) dst(%arg6 : memref<128xi32, #tpu.memory_space<vmem>>)
        tpu.yield
      }) : () -> ()
      "tpu.region"() ({
        %run_scoped3A = tpu.sem_alloc : memref<!tpu.dma_semaphore, #tpu.memory_space<semaphore_mem>>
        %dma_start3A_64 = tpu.memref_slice %arg4[%mul3A_59] : memref<320000xi32, #tpu.memory_space<hbm>> -> memref<128xi32, #tpu.memory_space<hbm>>
        %dma_start3A_65 = tpu.memref_slice %arg4[%mul3A_59] : memref<320000xi32, #tpu.memory_space<hbm>> -> memref<128xi32, #tpu.memory_space<hbm>>
        tpu.enqueue_dma source(%dma_start3A_65 : memref<128xi32, #tpu.memory_space<hbm>>) target(%arg7 : memref<128xi32, #tpu.memory_space<vmem>>) target_semaphore(%run_scoped3A : memref<!tpu.dma_semaphore, #tpu.memory_space<semaphore_mem>>)
        %dma_wait3A_66 = tpu.memref_slice %arg4[%mul3A_59] : memref<320000xi32, #tpu.memory_space<hbm>> -> memref<128xi32, #tpu.memory_space<hbm>>
        %dma_wait3A_67 = tpu.memref_slice %arg4[%mul3A_59] : memref<320000xi32, #tpu.memory_space<hbm>> -> memref<128xi32, #tpu.memory_space<hbm>>
        tpu.wait_dma2 semaphore(%run_scoped3A : memref<!tpu.dma_semaphore, #tpu.memory_space<semaphore_mem>>) src(%dma_wait3A_67 : memref<128xi32, #tpu.memory_space<hbm>>) dst(%arg7 : memref<128xi32, #tpu.memory_space<vmem>>)
        tpu.yield
      }) : () -> ()
      %dma_start3A = arith.constant 0 : i32
      %dma_start3A_60 = arith.constant 0 : i32
      %dma_start3A_61 = tpu.memref_slice %arg2[%dma_start3A, %dma_start3A_60] : memref<10240x128xf32, #tpu.memory_space<hbm>> -> memref<10240x128xf32, #tpu.memory_space<hbm>>
      tpu.enqueue_indirect_dma source(%dma_start3A_61 : memref<10240x128xf32, #tpu.memory_space<hbm>>) target(%arg8 : memref<128x128xf32, #tpu.memory_space<vmem>>) offsets(%arg6 : memref<128xi32, #tpu.memory_space<vmem>>) semaphore(%arg10 : memref<!tpu.dma_semaphore, #tpu.memory_space<semaphore_mem>>)
      %dma_wait3A = arith.constant 0 : i32
      %dma_wait3A_62 = arith.constant 0 : i32
      %dma_wait3A_63 = tpu.memref_slice %arg2[%dma_wait3A, %dma_wait3A_62] : memref<10240x128xf32, #tpu.memory_space<hbm>> -> memref<10240x128xf32, #tpu.memory_space<hbm>>
      tpu.wait_indirect_dma semaphore(%arg10 : memref<!tpu.dma_semaphore, #tpu.memory_space<semaphore_mem>>) src(%dma_wait3A_63 : memref<10240x128xf32, #tpu.memory_space<hbm>>) dst(%arg8 : memref<128x128xf32, #tpu.memory_space<vmem>>)
      "tpu.region"() ({
        %run_scoped3A = tpu.sem_alloc : memref<!tpu.dma_semaphore, #tpu.memory_space<semaphore_mem>>
        %dma_start3A_64 = arith.constant 0 : i32
        %dma_start3A_65 = arith.constant 0 : i32
        %dma_start3A_66 = tpu.memref_slice %arg9[%dma_start3A_64, %dma_start3A_65] : memref<10240x128xf32, #tpu.memory_space<vmem_shared>> -> memref<10240x128xf32, #tpu.memory_space<vmem_shared>>
        tpu.enqueue_indirect_dma source(%arg8 : memref<128x128xf32, #tpu.memory_space<vmem>>) target(%dma_start3A_66 : memref<10240x128xf32, #tpu.memory_space<vmem_shared>>) offsets(%arg7 : memref<128xi32, #tpu.memory_space<vmem>>) semaphore(%run_scoped3A : memref<!tpu.dma_semaphore, #tpu.memory_space<semaphore_mem>>) {add = true}
        %dma_wait3A_67 = arith.constant 0 : i32
        %dma_wait3A_68 = arith.constant 0 : i32
        %dma_wait3A_69 = tpu.memref_slice %arg9[%dma_wait3A_67, %dma_wait3A_68] : memref<10240x128xf32, #tpu.memory_space<vmem_shared>> -> memref<10240x128xf32, #tpu.memory_space<vmem_shared>>
        tpu.wait_indirect_dma semaphore(%run_scoped3A : memref<!tpu.dma_semaphore, #tpu.memory_space<semaphore_mem>>) src(%arg8 : memref<128x128xf32, #tpu.memory_space<vmem>>) dst(%dma_wait3A_69 : memref<10240x128xf32, #tpu.memory_space<vmem_shared>>)
        tpu.yield
      }) : () -> ()
    }
    %while3A_55 = arith.constant 1 : i32
    scf.for %while3A_57 = %while3A_53 to %while3A_49 step %while3A_55  : i32 {
      %mul3A_58 = arith.constant 128 : i32
      %mul3A_59 = arith.muli %while3A_57, %mul3A_58 : i32
      "tpu.region"() ({
        %run_scoped3A = tpu.sem_alloc : memref<!tpu.dma_semaphore, #tpu.memory_space<semaphore_mem>>
        %dma_start3A_64 = tpu.memref_slice %arg3[%mul3A_59] : memref<320000xi32, #tpu.memory_space<hbm>> -> memref<128xi32, #tpu.memory_space<hbm>>
        %dma_start3A_65 = tpu.memref_slice %arg3[%mul3A_59] : memref<320000xi32, #tpu.memory_space<hbm>> -> memref<128xi32, #tpu.memory_space<hbm>>
        tpu.enqueue_dma source(%dma_start3A_65 : memref<128xi32, #tpu.memory_space<hbm>>) target(%arg6 : memref<128xi32, #tpu.memory_space<vmem>>) target_semaphore(%run_scoped3A : memref<!tpu.dma_semaphore, #tpu.memory_space<semaphore_mem>>)
        %dma_wait3A_66 = tpu.memref_slice %arg3[%mul3A_59] : memref<320000xi32, #tpu.memory_space<hbm>> -> memref<128xi32, #tpu.memory_space<hbm>>
        %dma_wait3A_67 = tpu.memref_slice %arg3[%mul3A_59] : memref<320000xi32, #tpu.memory_space<hbm>> -> memref<128xi32, #tpu.memory_space<hbm>>
        tpu.wait_dma2 semaphore(%run_scoped3A : memref<!tpu.dma_semaphore, #tpu.memory_space<semaphore_mem>>) src(%dma_wait3A_67 : memref<128xi32, #tpu.memory_space<hbm>>) dst(%arg6 : memref<128xi32, #tpu.memory_space<vmem>>)
        tpu.yield
      }) : () -> ()
      "tpu.region"() ({
        %run_scoped3A = tpu.sem_alloc : memref<!tpu.dma_semaphore, #tpu.memory_space<semaphore_mem>>
        %dma_start3A_64 = tpu.memref_slice %arg4[%mul3A_59] : memref<320000xi32, #tpu.memory_space<hbm>> -> memref<128xi32, #tpu.memory_space<hbm>>
        %dma_start3A_65 = tpu.memref_slice %arg4[%mul3A_59] : memref<320000xi32, #tpu.memory_space<hbm>> -> memref<128xi32, #tpu.memory_space<hbm>>
        tpu.enqueue_dma source(%dma_start3A_65 : memref<128xi32, #tpu.memory_space<hbm>>) target(%arg7 : memref<128xi32, #tpu.memory_space<vmem>>) target_semaphore(%run_scoped3A : memref<!tpu.dma_semaphore, #tpu.memory_space<semaphore_mem>>)
        %dma_wait3A_66 = tpu.memref_slice %arg4[%mul3A_59] : memref<320000xi32, #tpu.memory_space<hbm>> -> memref<128xi32, #tpu.memory_space<hbm>>
        %dma_wait3A_67 = tpu.memref_slice %arg4[%mul3A_59] : memref<320000xi32, #tpu.memory_space<hbm>> -> memref<128xi32, #tpu.memory_space<hbm>>
        tpu.wait_dma2 semaphore(%run_scoped3A : memref<!tpu.dma_semaphore, #tpu.memory_space<semaphore_mem>>) src(%dma_wait3A_67 : memref<128xi32, #tpu.memory_space<hbm>>) dst(%arg7 : memref<128xi32, #tpu.memory_space<vmem>>)
        tpu.yield
      }) : () -> ()
      %dma_start3A = arith.constant 0 : i32
      %dma_start3A_60 = arith.constant 0 : i32
      %dma_start3A_61 = tpu.memref_slice %arg2[%dma_start3A, %dma_start3A_60] : memref<10240x128xf32, #tpu.memory_space<hbm>> -> memref<10240x128xf32, #tpu.memory_space<hbm>>
      tpu.enqueue_indirect_dma source(%dma_start3A_61 : memref<10240x128xf32, #tpu.memory_space<hbm>>) target(%arg8 : memref<128x128xf32, #tpu.memory_space<vmem>>) offsets(%arg6 : memref<128xi32, #tpu.memory_space<vmem>>) semaphore(%arg10 : memref<!tpu.dma_semaphore, #tpu.memory_space<semaphore_mem>>)
      %dma_wait3A = arith.constant 0 : i32
      %dma_wait3A_62 = arith.constant 0 : i32
      %dma_wait3A_63 = tpu.memref_slice %arg2[%dma_wait3A, %dma_wait3A_62] : memref<10240x128xf32, #tpu.memory_space<hbm>> -> memref<10240x128xf32, #tpu.memory_space<hbm>>
      tpu.wait_indirect_dma semaphore(%arg10 : memref<!tpu.dma_semaphore, #tpu.memory_space<semaphore_mem>>) src(%dma_wait3A_63 : memref<10240x128xf32, #tpu.memory_space<hbm>>) dst(%arg8 : memref<128x128xf32, #tpu.memory_space<vmem>>)
      "tpu.region"() ({
        %run_scoped3A = tpu.sem_alloc : memref<!tpu.dma_semaphore, #tpu.memory_space<semaphore_mem>>
        %dma_start3A_64 = arith.constant 0 : i32
        %dma_start3A_65 = arith.constant 0 : i32
        %dma_start3A_66 = tpu.memref_slice %arg9[%dma_start3A_64, %dma_start3A_65] : memref<10240x128xf32, #tpu.memory_space<vmem_shared>> -> memref<10240x128xf32, #tpu.memory_space<vmem_shared>>
        tpu.enqueue_indirect_dma source(%arg8 : memref<128x128xf32, #tpu.memory_space<vmem>>) target(%dma_start3A_66 : memref<10240x128xf32, #tpu.memory_space<vmem_shared>>) offsets(%arg7 : memref<128xi32, #tpu.memory_space<vmem>>) semaphore(%run_scoped3A : memref<!tpu.dma_semaphore, #tpu.memory_space<semaphore_mem>>) {add = true}
        %dma_wait3A_67 = arith.constant 0 : i32
        %dma_wait3A_68 = arith.constant 0 : i32
        %dma_wait3A_69 = tpu.memref_slice %arg9[%dma_wait3A_67, %dma_wait3A_68] : memref<10240x128xf32, #tpu.memory_space<vmem_shared>> -> memref<10240x128xf32, #tpu.memory_space<vmem_shared>>
        tpu.wait_indirect_dma semaphore(%run_scoped3A : memref<!tpu.dma_semaphore, #tpu.memory_space<semaphore_mem>>) src(%arg8 : memref<128x128xf32, #tpu.memory_space<vmem>>) dst(%dma_wait3A_69 : memref<10240x128xf32, #tpu.memory_space<vmem_shared>>)
        tpu.yield
      }) : () -> ()
    }
    %barrier3A_56 = arith.constant 0 : index
    tpu.barrier barrier_id(%barrier3A_56)
    "tpu.region"() ({
      %run_scoped3A = tpu.sem_alloc : memref<!tpu.dma_semaphore, #tpu.memory_space<semaphore_mem>>
      %dma_start3A = arith.constant 0 : i32
      %dma_start3A_57 = tpu.memref_slice %arg5[%arg0, %mul3A_0, %dma_start3A] : memref<2x10240x128xf32, #tpu.memory_space<hbm>> -> memref<1x640x128xf32, #tpu.memory_space<hbm>>
      %dma_start3A_58 = tpu.memref_squeeze %dma_start3A_57 : memref<1x640x128xf32, #tpu.memory_space<hbm>> -> memref<640x128xf32, #tpu.memory_space<hbm>>
      %dma_start3A_59 = arith.constant 0 : i32
      %dma_start3A_60 = tpu.memref_slice %arg9[%mul3A_0, %dma_start3A_59] : memref<10240x128xf32, #tpu.memory_space<vmem_shared>> -> memref<640x128xf32, #tpu.memory_space<vmem_shared>>
      tpu.enqueue_dma source(%dma_start3A_60 : memref<640x128xf32, #tpu.memory_space<vmem_shared>>) target(%dma_start3A_58 : memref<640x128xf32, #tpu.memory_space<hbm>>) target_semaphore(%run_scoped3A : memref<!tpu.dma_semaphore, #tpu.memory_space<semaphore_mem>>)
      %dma_wait3A = arith.constant 0 : i32
      %dma_wait3A_61 = tpu.memref_slice %arg5[%arg0, %mul3A_0, %dma_wait3A] : memref<2x10240x128xf32, #tpu.memory_space<hbm>> -> memref<1x640x128xf32, #tpu.memory_space<hbm>>
      %dma_wait3A_62 = tpu.memref_squeeze %dma_wait3A_61 : memref<1x640x128xf32, #tpu.memory_space<hbm>> -> memref<640x128xf32, #tpu.memory_space<hbm>>
      %dma_wait3A_63 = arith.constant 0 : i32
      %dma_wait3A_64 = tpu.memref_slice %arg9[%mul3A_0, %dma_wait3A_63] : memref<10240x128xf32, #tpu.memory_space<vmem_shared>> -> memref<640x128xf32, #tpu.memory_space<vmem_shared>>
      tpu.wait_dma2 semaphore(%run_scoped3A : memref<!tpu.dma_semaphore, #tpu.memory_space<semaphore_mem>>) src(%dma_wait3A_64 : memref<640x128xf32, #tpu.memory_space<vmem_shared>>) dst(%dma_wait3A_62 : memref<640x128xf32, #tpu.memory_space<hbm>>)
      tpu.yield
    }) : () -> ()
    return
  }
}

module attributes {stable_mosaic.version = 14 : i64} {
  func.func @_mm1_body(%arg0: memref<10000x128xf32, #tpu.memory_space<vmem>>, %arg1: memref<10240x1xf32, #tpu.memory_space<vmem>>, %arg2: memref<128x128xf32, #tpu.memory_space<vmem>>, %arg3: memref<10240x128xf32, #tpu.memory_space<vmem>>) attributes {dimension_semantics = [], scalar_prefetch = 0 : i64, scratch_operands = 0 : i64, tpu.core_type = #tpu.core_type<tc>} {
    %get3A = arith.constant 0 : index
    %get3A_0 = arith.constant 0 : index
    %get3A_1 = vector.load %arg1[%get3A, %get3A_0] : memref<10240x1xf32, #tpu.memory_space<vmem>>, vector<10000x1xf32>
    %add3A = arith.constant 1.000000e+00 : f32
    %add3A_2 = vector.broadcast %add3A : f32 to vector<10000x1xf32>
    %add3A_3 = arith.addf %get3A_1, %add3A_2 : vector<10000x1xf32>
    %rsqrt3A = math.rsqrt %add3A_3 : vector<10000x1xf32>
    %get3A_4 = arith.constant 0 : index
    %get3A_5 = arith.constant 0 : index
    %get3A_6 = vector.load %arg0[%get3A_4, %get3A_5] : memref<10000x128xf32, #tpu.memory_space<vmem>>, vector<10000x128xf32>
    %mul3A = vector.broadcast %rsqrt3A : vector<10000x1xf32> to vector<10000x128xf32>
    %mul3A_7 = arith.mulf %get3A_6, %mul3A : vector<10000x128xf32>
    %get3A_8 = arith.constant 0 : index
    %get3A_9 = arith.constant 0 : index
    %get3A_10 = vector.load %arg2[%get3A_8, %get3A_9] : memref<128x128xf32, #tpu.memory_space<vmem>>, vector<128x128xf32>
    %dot_general3A = arith.constant dense<0.000000e+00> : vector<10000x128xf32>
    %dot_general3A_11 = tpu.matmul %mul3A_7, %get3A_10, %dot_general3A {dimension_numbers = #tpu.dot_dimension_numbers<[1], [0], [0], [1], [0, 0, 1, 1], [], []>, transpose_lhs_hint = false} : vector<10000x128xf32>, vector<128x128xf32>, vector<10000x128xf32> -> vector<10000x128xf32>
    %swap3A = arith.constant 0 : index
    %swap3A_12 = arith.constant 0 : index
    %swap3A_13 = vector.load %arg3[%swap3A, %swap3A_12] : memref<10240x128xf32, #tpu.memory_space<vmem>>, vector<10000x128xf32>
    tpu.vector_store %arg3[%swap3A, %swap3A_12], %dot_general3A_11 {strides = array<i32>} : memref<10240x128xf32, #tpu.memory_space<vmem>>, vector<10000x128xf32>,
    %broadcast_in_dim3A = arith.constant 0.000000e+00 : f32
    %broadcast_in_dim3A_14 = vector.broadcast %broadcast_in_dim3A : f32 to vector<240x128xf32>
    %swap3A_15 = arith.constant 10000 : index
    %swap3A_16 = arith.constant 0 : index
    %swap3A_17 = vector.load %arg3[%swap3A_15, %swap3A_16] : memref<10240x128xf32, #tpu.memory_space<vmem>>, vector<240x128xf32>
    tpu.vector_store %arg3[%swap3A_15, %swap3A_16], %broadcast_in_dim3A_14 {strides = array<i32>} : memref<10240x128xf32, #tpu.memory_space<vmem>>, vector<240x128xf32>,
    return
  }
}

module attributes {stable_mosaic.version = 14 : i64} {
  func.func @_mid_body(%arg0: memref<2x10240x128xf32, #tpu.memory_space<vmem>>, %arg1: memref<10240x128xf32, #tpu.memory_space<vmem>>, %arg2: memref<10240x1xf32, #tpu.memory_space<vmem>>, %arg3: memref<1x128xf32, #tpu.memory_space<vmem>>, %arg4: memref<128x128xf32, #tpu.memory_space<vmem>>, %arg5: memref<10240x128xf32, #tpu.memory_space<vmem>>) attributes {dimension_semantics = [], scalar_prefetch = 0 : i64, scratch_operands = 0 : i64, tpu.core_type = #tpu.core_type<tc>} {
    %get3A = arith.constant 0 : index
    %get3A_0 = arith.constant 0 : index
    %get3A_1 = vector.load %arg2[%get3A, %get3A_0] : memref<10240x1xf32, #tpu.memory_space<vmem>>, vector<10240x1xf32>
    %add3A = arith.constant 1.000000e+00 : f32
    %add3A_2 = vector.broadcast %add3A : f32 to vector<10240x1xf32>
    %add3A_3 = arith.addf %get3A_1, %add3A_2 : vector<10240x1xf32>
    %rsqrt3A = math.rsqrt %add3A_3 : vector<10240x1xf32>
    %get3A_4 = arith.constant 0 : index
    %get3A_5 = arith.constant 0 : index
    %get3A_6 = arith.constant 0 : index
    %get3A_7 = vector.load %arg0[%get3A_4, %get3A_5, %get3A_6] : memref<2x10240x128xf32, #tpu.memory_space<vmem>>, vector<1x10240x128xf32>
    %get3A_8 = vector.shape_cast %get3A_7 : vector<1x10240x128xf32> to vector<10240x128xf32>
    %get3A_9 = arith.constant 1 : index
    %get3A_10 = arith.constant 0 : index
    %get3A_11 = arith.constant 0 : index
    %get3A_12 = vector.load %arg0[%get3A_9, %get3A_10, %get3A_11] : memref<2x10240x128xf32, #tpu.memory_space<vmem>>, vector<1x10240x128xf32>
    %get3A_13 = vector.shape_cast %get3A_12 : vector<1x10240x128xf32> to vector<10240x128xf32>
    %add3A_14 = arith.addf %get3A_8, %get3A_13 : vector<10240x128xf32>
    %get3A_15 = arith.constant 0 : index
    %get3A_16 = arith.constant 0 : index
    %get3A_17 = vector.load %arg1[%get3A_15, %get3A_16] : memref<10240x128xf32, #tpu.memory_space<vmem>>, vector<10240x128xf32>
    %sub3A = arith.subf %add3A_14, %get3A_17 : vector<10240x128xf32>
    %mul3A = vector.broadcast %rsqrt3A : vector<10240x1xf32> to vector<10240x128xf32>
    %mul3A_18 = arith.mulf %sub3A, %mul3A : vector<10240x128xf32>
    %get3A_19 = arith.constant 0 : index
    %get3A_20 = arith.constant 0 : index
    %get3A_21 = vector.load %arg3[%get3A_19, %get3A_20] : memref<1x128xf32, #tpu.memory_space<vmem>>, vector<1x128xf32>
    %add3A_22 = vector.broadcast %get3A_21 : vector<1x128xf32> to vector<10240x128xf32>
    %add3A_23 = arith.addf %mul3A_18, %add3A_22 : vector<10240x128xf32>
    %max3A = arith.constant 0.000000e+00 : f32
    %max3A_24 = vector.broadcast %max3A : f32 to vector<10240x128xf32>
    %max3A_25 = arith.maximumf %add3A_23, %max3A_24 : vector<10240x128xf32>
    %mul3A_26 = vector.broadcast %rsqrt3A : vector<10240x1xf32> to vector<10240x128xf32>
    %mul3A_27 = arith.mulf %max3A_25, %mul3A_26 : vector<10240x128xf32>
    %get3A_28 = arith.constant 0 : index
    %get3A_29 = arith.constant 0 : index
    %get3A_30 = vector.load %arg4[%get3A_28, %get3A_29] : memref<128x128xf32, #tpu.memory_space<vmem>>, vector<128x128xf32>
    %dot_general3A = arith.constant dense<0.000000e+00> : vector<10240x128xf32>
    %dot_general3A_31 = tpu.matmul %mul3A_27, %get3A_30, %dot_general3A {dimension_numbers = #tpu.dot_dimension_numbers<[1], [0], [0], [1], [0, 0, 1, 1], [], []>, transpose_lhs_hint = false} : vector<10240x128xf32>, vector<128x128xf32>, vector<10240x128xf32> -> vector<10240x128xf32>
    %swap3A = arith.constant 0 : index
    %swap3A_32 = arith.constant 0 : index
    %swap3A_33 = vector.load %arg5[%swap3A, %swap3A_32] : memref<10240x128xf32, #tpu.memory_space<vmem>>, vector<10240x128xf32>
    tpu.vector_store %arg5[%swap3A, %swap3A_32], %dot_general3A_31 {strides = array<i32>} : memref<10240x128xf32, #tpu.memory_space<vmem>>, vector<10240x128xf32>,
    return
  }
}

module attributes {stable_mosaic.version = 14 : i64} {
  func.func @_fin_body(%arg0: memref<2x10240x128xf32, #tpu.memory_space<vmem>>, %arg1: memref<10240x128xf32, #tpu.memory_space<vmem>>, %arg2: memref<10240x1xf32, #tpu.memory_space<vmem>>, %arg3: memref<1x128xf32, #tpu.memory_space<vmem>>, %arg4: memref<10000x128xf32, #tpu.memory_space<vmem>>) attributes {dimension_semantics = [], scalar_prefetch = 0 : i64, scratch_operands = 0 : i64, tpu.core_type = #tpu.core_type<tc>} {
    %get3A = arith.constant 0 : index
    %get3A_0 = arith.constant 0 : index
    %get3A_1 = vector.load %arg2[%get3A, %get3A_0] : memref<10240x1xf32, #tpu.memory_space<vmem>>, vector<10000x1xf32>
    %add3A = arith.constant 1.000000e+00 : f32
    %add3A_2 = vector.broadcast %add3A : f32 to vector<10000x1xf32>
    %add3A_3 = arith.addf %get3A_1, %add3A_2 : vector<10000x1xf32>
    %rsqrt3A = math.rsqrt %add3A_3 : vector<10000x1xf32>
    %get3A_4 = arith.constant 0 : index
    %get3A_5 = arith.constant 0 : index
    %get3A_6 = arith.constant 0 : index
    %get3A_7 = vector.load %arg0[%get3A_4, %get3A_5, %get3A_6] : memref<2x10240x128xf32, #tpu.memory_space<vmem>>, vector<1x10000x128xf32>
    %get3A_8 = vector.shape_cast %get3A_7 : vector<1x10000x128xf32> to vector<10000x128xf32>
    %get3A_9 = arith.constant 1 : index
    %get3A_10 = arith.constant 0 : index
    %get3A_11 = arith.constant 0 : index
    %get3A_12 = vector.load %arg0[%get3A_9, %get3A_10, %get3A_11] : memref<2x10240x128xf32, #tpu.memory_space<vmem>>, vector<1x10000x128xf32>
    %get3A_13 = vector.shape_cast %get3A_12 : vector<1x10000x128xf32> to vector<10000x128xf32>
    %add3A_14 = arith.addf %get3A_8, %get3A_13 : vector<10000x128xf32>
    %get3A_15 = arith.constant 0 : index
    %get3A_16 = arith.constant 0 : index
    %get3A_17 = vector.load %arg1[%get3A_15, %get3A_16] : memref<10240x128xf32, #tpu.memory_space<vmem>>, vector<10000x128xf32>
    %sub3A = arith.subf %add3A_14, %get3A_17 : vector<10000x128xf32>
    %mul3A = vector.broadcast %rsqrt3A : vector<10000x1xf32> to vector<10000x128xf32>
    %mul3A_18 = arith.mulf %sub3A, %mul3A : vector<10000x128xf32>
    %get3A_19 = arith.constant 0 : index
    %get3A_20 = arith.constant 0 : index
    %get3A_21 = vector.load %arg3[%get3A_19, %get3A_20] : memref<1x128xf32, #tpu.memory_space<vmem>>, vector<1x128xf32>
    %add3A_22 = vector.broadcast %get3A_21 : vector<1x128xf32> to vector<10000x128xf32>
    %add3A_23 = arith.addf %mul3A_18, %add3A_22 : vector<10000x128xf32>
    %swap3A = arith.constant 0 : index
    %swap3A_24 = arith.constant 0 : index
    %swap3A_25 = vector.load %arg4[%swap3A, %swap3A_24] : memref<10000x128xf32, #tpu.memory_space<vmem>>, vector<10000x128xf32>
    tpu.vector_store %arg4[%swap3A, %swap3A_24], %add3A_23 {strides = array<i32>} : memref<10000x128xf32, #tpu.memory_space<vmem>>, vector<10000x128xf32>,
    return
  }
}

</mosaic_0001>

<sc_bundles>
// kernel: kernel.11.cloned.1.call-start
scs
__scs_entry_jumppad:
0x0: {  	(pc) =	sbr.rel $0x88, $3  }
0x1: {  	(tag) =	ssettag $0x0;
	lr =	simm.s32 $0x1  }
0x2: {  	[smem:$0x3F9B] =	sst lr;
	_ =	strace $0xD0000000  }
0x3: {  	_ = 	snop  }
0x4: {  	_ = 	snop  }
0x5: {  	_ = 	snop  }
0x6: {  	_ = 	snop  }
0x7: {  	_ = 	snop  }
__scs_overlays_trampoline_lowered:
0x8: {  	[smem:$0x3FAA] =	sst s0  }
0x9: {  	[smem:$0x3FAB] =	sst s1  }
0xa: {  	[smem:$0x3FAC] =	sst s2  }
0xb: {  	[smem:$0x3FAD] =	sst s3  }
0xc: {  	[smem:$0x3FAE] =	sst s4  }
0xd: {  	[smem:$0x3FAF] =	sst s5  }
0xe: {  	[smem:$0x3FB0] =	sst s6  }
0xf: {  	[smem:$0x3FB1] =	sst s7  }
0x10: {  	[smem:$0x3FB2] =	sst s8  }
0x11: {  	[smem:$0x3FB3] =	sst s9;
	s0 =	simm.s32 @!p0 $0x0  }
0x12: {  	s1 =	sld [smem:$0x3F99];
	s0 =	simm.s32 @p0 $0x1  }
0x13: {  	[smem:$0x3FB4] =	sst s0;
	s0 =	simm.s32 @!p1 $0x0  }
0x14: {  	s2 =	sld [smem:$0x3F98];
	s0 =	simm.s32 @p1 $0x1  }
0x15: {  	[smem:$0x3FB5] =	sst s0;
	s0 =	simm.s32 @!p2 $0x0  }
0x16: {  	s3 =	sld [smem:$0x3FDB];
	s0 =	simm.s32 @p2 $0x1  }
0x17: {  	s4 =	simm.s32 $0x1BF5;
	[smem:$0x3FB7] =	sst s0  }
0x18: {  	s0 =	sld [smem:$0x3F9A];
	_ =	swait.ge [sflag:s4], $0x0  }
0x19: {  	s7 =	sld [smem:$0x3F9B]  }
0x1a: {  	s8 =	sadd.s32 $0xFFFFE003, lr  }
0x1b: {  	s9 =	sadd.s32 $0xFFFFFEF7, lr;
	s5 =	simm.s32 $0xFFFFFFFF;
	p2 =	slt.u32 s8, $0xFFFFF086  }
0x1c: {  	p1 =	slt.u32 s9, $0xF7A;
	s5 =	simm.s32 @!p2 $0x0  }
0x1d: {  	s5 =	simm.s32 @p1 $0x1;
	p0 =	seq.s32 s7, s2  }
0x1e: {  	s7 =	smul.u32 @!p0 $0xF7A, s2;
	p2 =	seq.s32 @!p0 s5, $0x0  }
0x1f: {  	s9 =	smul.u32 $0xF7A, s1;
	s8 =	simm.s32 @!p0 $0x1BF5;
	p2 =	por !p2, p0  }
0x20: {  	[sflag:s8] =	ssyncset.s32 @!p0 $0xFFFFF086;
	s6 =	sadd.s32 @!p0 s3, s7;
	s7 =	simm.s32 @!p0 $0x108  }
0x21: {  	s3 =	sadd.s32 s3, s9;
	s6 =	sadd.s32 @!p0 $0x88, s6;
	s7 =	simm.s32 @p2 $0x1082  }
0x22: {  	[simem:s7], [sflag:s8] =	dma.local @!p0 [hbm:s6], $0xF7A  }
0x23: {  	s9 =	sor.u32 $0xD0000000, s2;
	s6 =	simm.s32 $0x108;
	_ =	swait.ge @!p0 [sflag:s8], $0x0  }
0x24: {  	s3 =	sadd.s32 $0x88, s3;
	s6 =	simm.s32 @!p1 $0x1082;
	[sflag:s4] =	ssyncset.s32 $0xFFFFF086  }
0x25: {  	[simem:s6], [sflag:s4] =	dma.local [hbm:s3], $0xF7A  }
0x26: {  	[smem:$0x3F9B] =	sst s1;
	(tag) =	ssettag s2;
	_ =	strace s9  }
0x27: {  	s1 =	sld [smem:$0x3FAB]  }
0x28: {  	s2 =	sld [smem:$0x3FAC]  }
0x29: {  	s4 =	sld [smem:$0x3FAE]  }
0x2a: {  	p0 =	seq.s32 s5, $0x0;
	s5 =	sld [smem:$0x3FAF]  }
0x2b: {  	s6 =	sld [smem:$0x3FB0]  }
0x2c: {  	s7 =	sld [smem:$0x3FB1]  }
0x2d: {  	s3 =	simm.s32 $0x108;
	s8 =	sld [smem:$0x3FB2]  }
0x2e: {  	s3 =	simm.s32 @!p0 $0x1082;
	s9 =	sld [smem:$0x3FB3]  }
0x2f: {  	lr =	sadd.s32 s0, s3;
	s0 =	sld [smem:$0x3FAA]  }
0x30: {  	s3 =	sld [smem:$0x3FAD]  }
0x31: {  	[smem:$0x3FB6] =	sst s10  }
0x32: {  	s10 =	sld [smem:$0x3FB4];
	_ =	sdelay $0x3  }
0x33: {  	p0 =	seq.s32 s10, $0x1;
	s10 =	sld [smem:$0x3FB6];
	_ =	sdelay $0x3  }
0x34: {  	[smem:$0x3FB6] =	sst s10  }
0x35: {  	s10 =	sld [smem:$0x3FB5];
	_ =	sdelay $0x3  }
0x36: {  	p1 =	seq.s32 s10, $0x1;
	s10 =	sld [smem:$0x3FB6];
	_ =	sdelay $0x3  }
0x37: {  	[smem:$0x3FB6] =	sst s10  }
0x38: {  	s10 =	sld [smem:$0x3FB7]  }
0x39: {  	_ = 	snop;
	(pc) =	sbr.ind lr, $3  }
0x3a: {  	_ = 	snop  }
0x3b: {  	_ = 	snop  }
0x3c: {  	p2 =	seq.s32 s10, $0x1;
	s10 =	sld [smem:$0x3FB6]  }
0x3d: {  	_ =	shalt  }
0x3e: {  	_ =	shalt  }
0x3f: {  	_ =	shalt  }
0x40: {  	_ =	shalt  }
0x41: {  	_ =	shalt  }
0x42: {  	_ =	shalt  }
0x43: {  	_ =	shalt  }
0x44: {  	_ =	shalt  }
0x45: {  	_ =	shalt  }
0x46: {  	_ =	shalt  }
0x47: {  	_ =	shalt  }
0x48: {  	_ =	shalt  }
0x49: {  	_ =	shalt  }
0x4a: {  	_ =	shalt  }
0x4b: {  	_ =	shalt  }
0x4c: {  	_ =	shalt  }
0x4d: {  	_ =	shalt  }
0x4e: {  	_ =	shalt  }
0x4f: {  	_ =	shalt  }
0x50: {  	_ =	shalt  }
0x51: {  	_ =	shalt  }
0x52: {  	_ =	shalt  }
0x53: {  	_ =	shalt  }
0x54: {  	_ =	shalt  }
0x55: {  	_ =	shalt  }
0x56: {  	_ =	shalt  }
0x57: {  	_ =	shalt  }
0x58: {  	_ =	shalt  }
0x59: {  	_ =	shalt  }
0x5a: {  	_ =	shalt  }
0x5b: {  	_ =	shalt  }
0x5c: {  	_ =	shalt  }
0x5d: {  	_ =	shalt  }
0x5e: {  	_ =	shalt  }
0x5f: {  	_ =	shalt  }
0x60: {  	_ =	shalt  }
0x61: {  	_ =	shalt  }
0x62: {  	_ =	shalt  }
0x63: {  	_ =	shalt  }
0x64: {  	_ =	shalt  }
0x65: {  	_ =	shalt  }
0x66: {  	_ =	shalt  }
0x67: {  	_ =	shalt  }
0x68: {  	_ =	shalt  }
0x69: {  	_ =	shalt  }
0x6a: {  	_ =	shalt  }
0x6b: {  	_ =	shalt  }
0x6c: {  	_ =	shalt  }
0x6d: {  	_ =	shalt  }
0x6e: {  	_ =	shalt  }
0x6f: {  	_ =	shalt  }
0x70: {  	_ =	shalt  }
0x71: {  	_ =	shalt  }
0x72: {  	_ =	shalt  }
0x73: {  	_ =	shalt  }
0x74: {  	_ =	shalt  }
0x75: {  	_ =	shalt  }
0x76: {  	_ =	shalt  }
0x77: {  	_ =	shalt  }
0x78: {  	_ =	shalt  }
0x79: {  	_ =	shalt  }
0x7a: {  	_ =	shalt  }
0x7b: {  	_ =	shalt  }
0x7c: {  	_ =	shalt  }
0x7d: {  	_ =	shalt  }
0x7e: {  	_ =	shalt  }
0x7f: {  	_ =	shalt  }
0x80: {  	_ =	shalt  }
0x81: {  	_ =	shalt  }
0x82: {  	_ =	shalt  }
0x83: {  	_ =	shalt  }
0x84: {  	_ =	shalt  }
0x85: {  	_ =	shalt  }
0x86: {  	_ =	shalt  }
0x87: {  	_ =	shalt  }
.Lfunc_end0:
.L_simem_size_0:
called_computation.1_lowered:
.L_overlay_start_0:
0x88: {  	s2 =	sld [smem:$0x3FD9]  }
0x89: {  	s3 =	sld [smem:$0x3FFE];
	_ =	sdelay $0x1  }
0x8a: {  	s1 =	srdreg.scid  }
0x8b: {  	s0 =	sand.u32 $0x1, s1  }
0x8c: {  	s17 =	sshll.u32 s0, $0xA;
	s2 =	sadd.s32 s3, s2  }
0x8d: {  	s2 =	sadd.s32 s2, s17  }
0x8e: {  	[smem:$0x3FC2] =	sst s2  }
0x8f: {  	_ = 	snop  }
0x90: {  	s2 =	sld [smem:$0x3FD0];
	(tm) =	ssettm $0x1  }
0x91: {  	s18 =	sld [smem:$0x3FFB];
	_ =	sdelay $0x3  }
0x92: {  	_ =	strace s18  }
0x93: {  	s3 =	sld [smem:$0x3FFC];
	_ =	sdelay $0x3  }
0x94: {  	_ =	strace s3  }
0x95: {  	s3 =	sld [smem:$0x3FFD];
	_ =	sdelay $0x3  }
0x96: {  	_ =	strace s3  }
0x97: {  	_ =	strace $0x8FFFFFFF  }
0x98: {  	s19 =	sld [smem:$0x3FDB];
	_ =	sdelay $0x1  }
0x99: {  	s4 =	simm.s32 $_scs_section_size  }
0x9a: {  	s5 =	simm.s32 $_size__tile_overlayer_lowered;
	s6 =	simm.s32 $_tile_overlayer_lowered  }
0x9b: {  	s22 =	simm.s32 $0x1BFF;
	s21 =	sshll.u32 s6, $0x1;
	s3 =	sadd.s32 s4, s19  }
0x9c: {  	s7 =	simm.s32 $0x0;
	s20 =	sshll.u32 s5, $0x1;
	s5 =	sadd.s32 s21, s3  }
0x9d: {  	[timem:s7], [sflag:s22] =	dma.local [hbm:s5], s20  }
0x9e: {  	_ =	swait.ge [sflag:s22], s20  }
0x9f: {  	s4 =	ssub.s32 $0x0, s20;
	[sflag:s22] =	ssyncset.done $0x0  }
0xa0: {  	[sflag:s22] =	ssyncadd.s32 s4;
	_ =	sdelay $0x1  }
0xa1: {  	s23 =	simm.s32 $0x1B8B  }
0xa2: {  	_ =	swait.ge [sflag:s23], $0x1  }
0xa3: {  	[sflag:s23] =	ssyncset.done $0x0  }
0xa4: {  	s25 =	simm.s32 $0x1B8E;
	s24 =	sld [smem:$0x3FFE];
	[sflag:s23] =	ssyncadd.s32 $0xFFFFFFFF  }
0xa5: {  	s26 =	simm.s32 $execute0_lowered;
	[smem:$0x3FD2] =	sst s25  }
0xa6: {  	s5 =	sshll.u32 s26, $0x1;
	_ =	strace $0x80000049;
	[dreg:$0x1] =	wrdreg $0xFFFFFFFF  }
0xa7: {  	s28 =	simm.s32 $_size_execute0_lowered;
	s3 =	sadd.s32 s3, s5;
	[dreg:$0x0] =	wrdreg $0x0  }
0xa8: {  	s5 =	sshll.u32 s28, $0x1;
	[dreg:$0x2] =	wrdreg s3  }
0xa9: {  	[dreg:$0x3] =	wrdreg s5  }
0xaa: {  	[dreg:$0x4] =	wrdreg $0xC0  }
0xab: {  	_ =	task [dreg:s7], $0x5FFFF  }
0xac: {  	[dreg:$0x1] =	wrdreg $0xFFFFFFFF  }
0xad: {  	[dreg:$0x0] =	wrdreg $0x60  }
0xae: {  	[dreg:$0x2] =	wrdreg s24  }
0xaf: {  	[dreg:$0x3] =	wrdreg s2  }
0xb0: {  	[dreg:$0x4] =	wrdreg $0x41000  }
0xb1: {  	[dreg:$0x5] =	wrdreg $0x9  }
0xb2: {  	_ =	task.clear_ibuf [dreg:s7], $0x6FFFF;
	_ =	strace $0x90000049  }
0xb3: {  	s29 =	simm.s32 $0x9;
	_ =	strace $0x8000004B  }
0xb4: {  	_ =	swait.ge [sflag:s29], $0x1  }
0xb5: {  	[sflag:s29] =	ssyncadd.s32 $0xFFFFFFFF  }
0xb6: {  	_ =	strace $0x9000004B  }
0xb7: {  	_ =	sfence  }
0xb8: {  	s30 =	sld [smem:$0x0];
	_ =	sdelay $0x2  }
0xb9: {  	s31 =	sshll.u32 s1, $0xD;
	s1 =	sshrl.u32 s1, $0x2  }
0xba: {  	s3 =	sand.u32 $0x4000, s31;
	s1 =	sadd.s32 s1, s30  }
0xbb: {  	s0 =	sor.u32 s3, s0;
	s1 =	sshll.u32 s1, $0x11  }
0xbc: {  	s0 =	sor.u32 s1, s0  }
0xbd: {  	s0 =	sadd.s32 $0x8F2B, s0  }
0xbe: {  	[sflag:s0] =	ssyncadd.remote.s32 $0x1  }
0xbf: {  	_ =	sfence.sel $0xFFFF  }
0xc0: {  	[dreg:$0x0] =	wrdreg $0xFFFFFFFF;
	(pc) =	sbr.abs _section_cstart, $3  }
0xc1: {  	[dreg:$0x1] =	wrdreg $0xFFFFFFFF  }
0xc2: {  	_ =	task.clear_ibuf [dreg:s7], $0x2FFFF;
	_ =	strace $0x9FFFFFFF  }
0xc3: {  	(tm) =	ssettm $0x7FFFFFFF  }
tec
execute0_lowered:
.L_overlay_start_1:
0x0: {  	(tag) =	ssettag $0x1  }
0x1: {  	s5 =	rddreg [dreg:$0x0]  }
0x2: {  	s12 =	rddreg [dreg:$0x1]  }
0x3: {  	s0 =	srdreg.scid;
	s1 =	stileid.u32  }
0x4: {  	s2 =	rddreg [dreg:$0x2];
	s7 =	smul.u32 $0x9C4, s1  }
0x5: {  	s3 =	simm.s32 $0x0;
	s16 =	simm.s32 $0x100;
	s8 =	smul.u32 $0x14000, s1  }
0x6: {  	s17 =	simm.s32 $0x1;
	s6 =	sand.u32 $0x1, s0;
	s14 =	smul.u32 $0x50000, s1  }
0x7: {  	s18 =	simm.s32 $0x0;
	s0 =	rddreg [dreg:$0x3];
	s4 =	smul.u32 $0xFFFF9C40, s6  }
0x8: {  	[smem:$0x7FF] =	sst s3;
	s31 =	sshll.u32 s1, $0x6;
	s24 =	smul.u32 $0x140000, s6  }
0x9: {  	_ =	strace $0x8000004A;
	s25 =	ssub.s32 $0x2, s6;
	s6 =	sshll.u32 s6, $0x4  }
0xa: {  	s10 =	sshrl.u32 s25, $0x1;
	s26 =	sor.u32 s1, s6;
	s28 =	sshrl.u32 s14, $0x2  }
0xb: {  	s29 =	sshrl.u32 s8, $0x3;
	s6 =	sor.u32 $0x1C02, s31;
	s4 =	sand.u32 $0xFFC0, s4  }
0xc: {  	s10 =	ssub.s32 s25, s10;
	s30 =	smul.u32 $0x9C4, s26;
	s14 =	sadd.s32 s28, s2  }
0xd: {  	s4 =	sadd.s32 s7, s4;
	s7 =	sadd.s32 s8, s24;
	s10 =	smax.u32 s10, $0x1  }
0xe: {  	s9 =	sshrl.u32 s4, $0x1;
	s4 =	sadd.s32 $0xC200, s5;
	s7 =	sshrl.u32 s7, $0x3  }
.Ltmp0:
0xf: {  	s8 =	sadd.s32 $0x9C4, s30;
	s13 =	sand.u32 $0xFFF0, s9;
	(pc) =	sbr.rel .LBB2_1-.Ltmp0, $4  }
0x10: {  	s15 =	sadd.s32 s7, s5;
	s7 =	sshrl.u32 s30, $0x5;
	s8 =	sshrl.u32 s8, $0x5  }
0x11: {  	s11 =	sadd.s32 s13, s5;
	s5 =	sadd.s32 s4, s29;
	s9 =	sadd.s32 $0x34200, s15  }
0x12: {  	s12 =	sadd.s32 s13, s12;
	p0 =	sge.u32 s7, s8;
	s13 =	sshrl.u32 s14, $0x3  }
0x13: {  	s14 =	simm.s32 $0x2;
	s15 =	simm.s32 $0x80;
	s11 =	sadd.s32 $0x2400, s11  }
.LBB2_4:
0x14: {  	[sflag:s14] =	ssyncadd.s32 $0xFFFFC000  }
.LBB2_5:
0x15: {  	s18 =	sadd.s32 $0x1, s18  }
0x16: {  	p1 =	sne.s32 s18, s10  }
.Ltmp1:
0x17: {  	[bflag:$0x0] =	sbarrier.arrive $0xFFFF;
	(pc) =	sbr.rel @!p1 .LBB2_6-.Ltmp1, $4  }
0x18: {  	[hbm:s9], [sflag:s6] =	dma.local [spmem:s13], $0x2800  }
0x19: {  	_ =	swait.ge [sflag:s14], $0x2800  }
0x1a: {  	[sflag:s14] =	ssyncset.done $0x0  }
0x1b: {  	[sflag:s14] =	ssyncadd.s32 $0xFFFFD800  }
.LBB2_1:
0x1c: {  	[spmem:s13], [sflag:s6] =	dma.local [hbm:s5], $0x2800  }
.Ltmp2:
0x1d: {  	_ =	swait.ge [sflag:s14], $0x2800;
	(pc) =	sbr.rel @p0 .LBB2_5-.Ltmp2, $3  }
0x1e: {  	[sflag:s14] =	ssyncset.done $0x0  }
0x1f: {  	[sflag:s14] =	ssyncadd.s32 $0xFFFFD800  }
0x20: {  	[bflag:$0x0] =	sbarrier.arrive $0xFFFF;
	_ =	sdelay $0x1  }
0x21: {  	[tilespmem:s3], [sflag:$0x2] =	stream.linear.gather [hbm4b:s12+s3], $0x80, $0x38;
	[tilespmem:$0x18100] =	vst v63  }
0x22: {  	_ =	swait.ge [sflag:s14], $0x80  }
0x23: {  	[sflag:s14] =	ssyncset.done $0x0  }
0x24: {  	[sflag:s14] =	ssyncadd.s32 $0xFFFFFF80  }
0x25: {  	[tilespmem:s15], [sflag:$0x2] =	stream.linear.gather [hbm4b:s11+s3], $0x80, $0x38;
	[tilespmem:$0x18100] =	vst v63  }
0x26: {  	_ =	swait.ge [sflag:s14], $0x80  }
0x27: {  	[sflag:s14] =	ssyncset.done $0x0  }
0x28: {  	s19 =	sadd.s32 $0x1, s7;
	[sflag:s14] =	ssyncadd.s32 $0xFFFFFF80  }
0x29: {  	[tilespmem:s16], [sflag:$0x1] =	stream.indirect.gather [hbm4b:s4+s15], $0x80, s3, s15, $0xb8;
	[tilespmem:$0x18100] =	vst v63  }
0x2a: {  	p1 =	slt.u32 s19, s8;
	_ =	swait.ge [sflag:s17], $0x4000  }
.Ltmp3:
0x2b: {  	[sflag:s17] =	ssyncset.done $0x0;
	(pc) =	sbr.rel @!p1 .LBB2_4-.Ltmp3, $4  }
0x2c: {  	[sflag:s17] =	ssyncadd.s32 $0xFFFFC000  }
0x2d: {  	[spmem:s2] =	stream.indirect.scatter.add.f32 [tilespmem:s16], [sflag:$0x2], $0x80, s15, s15, $0xb8;
	[tilespmem:$0x18100] =	vst v63  }
0x2e: {  	_ =	swait.ge [sflag:s14], $0x4000  }
0x2f: {  	s20 =	sadd.s32 $0x10, s12;
	s21 =	smov.u32 s11;
	[sflag:s14] =	ssyncset.done $0x0  }
.LBB2_3:
0x30: {  	s19 =	sadd.s32 $0x1, s19;
	[sflag:s14] =	ssyncadd.s32 $0xFFFFC000;
	s21 =	sadd.s32 $0x10, s21  }
0x31: {  	[tilespmem:s3], [sflag:$0x2] =	stream.linear.gather [hbm4b:s20+s3], $0x80, $0x38;
	[tilespmem:$0x18100] =	vst v63  }
0x32: {  	p1 =	slt.u32 s19, s8;
	_ =	swait.ge [sflag:s14], $0x80  }
0x33: {  	[sflag:s14] =	ssyncset.done $0x0  }
0x34: {  	[sflag:s14] =	ssyncadd.s32 $0xFFFFFF80  }
0x35: {  	[tilespmem:s15], [sflag:$0x2] =	stream.linear.gather [hbm4b:s21+s3], $0x80, $0x38;
	[tilespmem:$0x18100] =	vst v63  }
0x36: {  	_ =	swait.ge [sflag:s14], $0x80  }
0x37: {  	[sflag:s14] =	ssyncset.done $0x0  }
0x38: {  	[sflag:s14] =	ssyncadd.s32 $0xFFFFFF80  }
0x39: {  	[tilespmem:s16], [sflag:$0x1] =	stream.indirect.gather [hbm4b:s4+s15], $0x80, s3, s15, $0xb8;
	[tilespmem:$0x18100] =	vst v63  }
0x3a: {  	_ =	swait.ge [sflag:s17], $0x4000  }
.Ltmp4:
0x3b: {  	[sflag:s17] =	ssyncset.done $0x0;
	(pc) =	sbr.rel @p1 .LBB2_3-.Ltmp4, $4  }
0x3c: {  	[sflag:s17] =	ssyncadd.s32 $0xFFFFC000  }
0x3d: {  	[spmem:s2] =	stream.indirect.scatter.add.f32 [tilespmem:s16], [sflag:$0x2], $0x80, s15, s15, $0xb8;
	[tilespmem:$0x18100] =	vst v63  }
0x3e: {  	_ =	swait.ge [sflag:s14], $0x4000  }
0x3f: {  	s20 =	sadd.s32 $0x10, s20;
	[sflag:s14] =	ssyncset.done $0x0  }
.Ltmp5:
0x40: {  	_ = 	snop;
	(pc) =	sbr.rel .LBB2_4-.Ltmp5, $1  }
0x41: {  	_ =	sdelay $0x3  }
.LBB2_6:
0x42: {  	_ =	sfence.sel $0x180000  }
0x43: {  	[bflag:$0x0] =	sbarrier.arrive $0xFFFF  }
0x44: {  	p0 =	sne.s32 s1, $0x0;
	_ =	strace $0x9000004A  }
0x45: {  	s0 =	sadd.s32 @!p0 $0x100000, s0;
	[bflag:$0x2] =	sbarrier.arrive $0xFFFF  }
0x46: {  	[sflag:s0] =	ssyncadd.tile.s32 @!p0 $0x1;
	_ =	shalt  }
.Lfunc_end2:
_tile_overlayer_lowered:
.L_overlay_start_2:
0x47: {  	(tag) =	ssettag $0x2  }
0x48: {  	s0 =	rddreg [dreg:$0x0];
	s2 =	stileid.u32  }
0x49: {  	s1 =	rddreg [dreg:$0x1];
	p0 =	sne.s32 s2, $0x0  }
0x4a: {  	s3 =	rddreg [dreg:$0x2];
	[bflag:$0x3] =	sbarrier.arrive $0xFFFF;
	s2 =	simm.s32 @!p0 $0x1C02  }
0x4b: {  	[timem:s3], [sflag:s2] =	dma.local @!p0 [hbm:s0], s1  }
0x4c: {  	s0 =	simm.s32 @!p0 $0x2  }
0x4d: {  	_ =	swait.ge @!p0 [sflag:s0], s1  }
0x4e: {  	s1 =	ssub.s32 @!p0 $0x0, s1;
	[sflag:s0] =	ssyncset.done @!p0 $0x0  }
0x4f: {  	[sflag:s0] =	ssyncadd.s32 @!p0 s1  }
0x50: {  	[bflag:$0x3] =	sbarrier.arrive $0xFFFF  }
0x51: {  	_ =	shalt  }

// kernel: kernel.14.cloned.1.call-start
scs
__scs_entry_jumppad:
0x0: {  	(pc) =	sbr.rel $0x88, $3  }
0x1: {  	(tag) =	ssettag $0x0;
	lr =	simm.s32 $0x1  }
0x2: {  	[smem:$0x3F9B] =	sst lr;
	_ =	strace $0xD0000000  }
0x3: {  	_ = 	snop  }
0x4: {  	_ = 	snop  }
0x5: {  	_ = 	snop  }
0x6: {  	_ = 	snop  }
0x7: {  	_ = 	snop  }
__scs_overlays_trampoline_lowered:
0x8: {  	[smem:$0x3FAA] =	sst s0  }
0x9: {  	[smem:$0x3FAB] =	sst s1  }
0xa: {  	[smem:$0x3FAC] =	sst s2  }
0xb: {  	[smem:$0x3FAD] =	sst s3  }
0xc: {  	[smem:$0x3FAE] =	sst s4  }
0xd: {  	[smem:$0x3FAF] =	sst s5  }
0xe: {  	[smem:$0x3FB0] =	sst s6  }
0xf: {  	[smem:$0x3FB1] =	sst s7  }
0x10: {  	[smem:$0x3FB2] =	sst s8  }
0x11: {  	[smem:$0x3FB3] =	sst s9;
	s0 =	simm.s32 @!p0 $0x0  }
0x12: {  	s1 =	sld [smem:$0x3F99];
	s0 =	simm.s32 @p0 $0x1  }
0x13: {  	[smem:$0x3FB4] =	sst s0;
	s0 =	simm.s32 @!p1 $0x0  }
0x14: {  	s2 =	sld [smem:$0x3F98];
	s0 =	simm.s32 @p1 $0x1  }
0x15: {  	[smem:$0x3FB5] =	sst s0;
	s0 =	simm.s32 @!p2 $0x0  }
0x16: {  	s3 =	sld [smem:$0x3FDB];
	s0 =	simm.s32 @p2 $0x1  }
0x17: {  	s4 =	simm.s32 $0x1BF5;
	[smem:$0x3FB7] =	sst s0  }
0x18: {  	s0 =	sld [smem:$0x3F9A];
	_ =	swait.ge [sflag:s4], $0x0  }
0x19: {  	s7 =	sld [smem:$0x3F9B]  }
0x1a: {  	s8 =	sadd.s32 $0xFFFFE003, lr  }
0x1b: {  	s9 =	sadd.s32 $0xFFFFFEF7, lr;
	s5 =	simm.s32 $0xFFFFFFFF;
	p2 =	slt.u32 s8, $0xFFFFF086  }
0x1c: {  	p1 =	slt.u32 s9, $0xF7A;
	s5 =	simm.s32 @!p2 $0x0  }
0x1d: {  	s5 =	simm.s32 @p1 $0x1;
	p0 =	seq.s32 s7, s2  }
0x1e: {  	s7 =	smul.u32 @!p0 $0xF7A, s2;
	p2 =	seq.s32 @!p0 s5, $0x0  }
0x1f: {  	s9 =	smul.u32 $0xF7A, s1;
	s8 =	simm.s32 @!p0 $0x1BF5;
	p2 =	por !p2, p0  }
0x20: {  	[sflag:s8] =	ssyncset.s32 @!p0 $0xFFFFF086;
	s6 =	sadd.s32 @!p0 s3, s7;
	s7 =	simm.s32 @!p0 $0x108  }
0x21: {  	s3 =	sadd.s32 s3, s9;
	s6 =	sadd.s32 @!p0 $0x88, s6;
	s7 =	simm.s32 @p2 $0x1082  }
0x22: {  	[simem:s7], [sflag:s8] =	dma.local @!p0 [hbm:s6], $0xF7A  }
0x23: {  	s9 =	sor.u32 $0xD0000000, s2;
	s6 =	simm.s32 $0x108;
	_ =	swait.ge @!p0 [sflag:s8], $0x0  }
0x24: {  	s3 =	sadd.s32 $0x88, s3;
	s6 =	simm.s32 @!p1 $0x1082;
	[sflag:s4] =	ssyncset.s32 $0xFFFFF086  }
0x25: {  	[simem:s6], [sflag:s4] =	dma.local [hbm:s3], $0xF7A  }
0x26: {  	[smem:$0x3F9B] =	sst s1;
	(tag) =	ssettag s2;
	_ =	strace s9  }
0x27: {  	s1 =	sld [smem:$0x3FAB]  }
0x28: {  	s2 =	sld [smem:$0x3FAC]  }
0x29: {  	s4 =	sld [smem:$0x3FAE]  }
0x2a: {  	p0 =	seq.s32 s5, $0x0;
	s5 =	sld [smem:$0x3FAF]  }
0x2b: {  	s6 =	sld [smem:$0x3FB0]  }
0x2c: {  	s7 =	sld [smem:$0x3FB1]  }
0x2d: {  	s3 =	simm.s32 $0x108;
	s8 =	sld [smem:$0x3FB2]  }
0x2e: {  	s3 =	simm.s32 @!p0 $0x1082;
	s9 =	sld [smem:$0x3FB3]  }
0x2f: {  	lr =	sadd.s32 s0, s3;
	s0 =	sld [smem:$0x3FAA]  }
0x30: {  	s3 =	sld [smem:$0x3FAD]  }
0x31: {  	[smem:$0x3FB6] =	sst s10  }
0x32: {  	s10 =	sld [smem:$0x3FB4];
	_ =	sdelay $0x3  }
0x33: {  	p0 =	seq.s32 s10, $0x1;
	s10 =	sld [smem:$0x3FB6];
	_ =	sdelay $0x3  }
0x34: {  	[smem:$0x3FB6] =	sst s10  }
0x35: {  	s10 =	sld [smem:$0x3FB5];
	_ =	sdelay $0x3  }
0x36: {  	p1 =	seq.s32 s10, $0x1;
	s10 =	sld [smem:$0x3FB6];
	_ =	sdelay $0x3  }
0x37: {  	[smem:$0x3FB6] =	sst s10  }
0x38: {  	s10 =	sld [smem:$0x3FB7]  }
0x39: {  	_ = 	snop;
	(pc) =	sbr.ind lr, $3  }
0x3a: {  	_ = 	snop  }
0x3b: {  	_ = 	snop  }
0x3c: {  	p2 =	seq.s32 s10, $0x1;
	s10 =	sld [smem:$0x3FB6]  }
0x3d: {  	_ =	shalt  }
0x3e: {  	_ =	shalt  }
0x3f: {  	_ =	shalt  }
0x40: {  	_ =	shalt  }
0x41: {  	_ =	shalt  }
0x42: {  	_ =	shalt  }
0x43: {  	_ =	shalt  }
0x44: {  	_ =	shalt  }
0x45: {  	_ =	shalt  }
0x46: {  	_ =	shalt  }
0x47: {  	_ =	shalt  }
0x48: {  	_ =	shalt  }
0x49: {  	_ =	shalt  }
0x4a: {  	_ =	shalt  }
0x4b: {  	_ =	shalt  }
0x4c: {  	_ =	shalt  }
0x4d: {  	_ =	shalt  }
0x4e: {  	_ =	shalt  }
0x4f: {  	_ =	shalt  }
0x50: {  	_ =	shalt  }
0x51: {  	_ =	shalt  }
0x52: {  	_ =	shalt  }
0x53: {  	_ =	shalt  }
0x54: {  	_ =	shalt  }
0x55: {  	_ =	shalt  }
0x56: {  	_ =	shalt  }
0x57: {  	_ =	shalt  }
0x58: {  	_ =	shalt  }
0x59: {  	_ =	shalt  }
0x5a: {  	_ =	shalt  }
0x5b: {  	_ =	shalt  }
0x5c: {  	_ =	shalt  }
0x5d: {  	_ =	shalt  }
0x5e: {  	_ =	shalt  }
0x5f: {  	_ =	shalt  }
0x60: {  	_ =	shalt  }
0x61: {  	_ =	shalt  }
0x62: {  	_ =	shalt  }
0x63: {  	_ =	shalt  }
0x64: {  	_ =	shalt  }
0x65: {  	_ =	shalt  }
0x66: {  	_ =	shalt  }
0x67: {  	_ =	shalt  }
0x68: {  	_ =	shalt  }
0x69: {  	_ =	shalt  }
0x6a: {  	_ =	shalt  }
0x6b: {  	_ =	shalt  }
0x6c: {  	_ =	shalt  }
0x6d: {  	_ =	shalt  }
0x6e: {  	_ =	shalt  }
0x6f: {  	_ =	shalt  }
0x70: {  	_ =	shalt  }
0x71: {  	_ =	shalt  }
0x72: {  	_ =	shalt  }
0x73: {  	_ =	shalt  }
0x74: {  	_ =	shalt  }
0x75: {  	_ =	shalt  }
0x76: {  	_ =	shalt  }
0x77: {  	_ =	shalt  }
0x78: {  	_ =	shalt  }
0x79: {  	_ =	shalt  }
0x7a: {  	_ =	shalt  }
0x7b: {  	_ =	shalt  }
0x7c: {  	_ =	shalt  }
0x7d: {  	_ =	shalt  }
0x7e: {  	_ =	shalt  }
0x7f: {  	_ =	shalt  }
0x80: {  	_ =	shalt  }
0x81: {  	_ =	shalt  }
0x82: {  	_ =	shalt  }
0x83: {  	_ =	shalt  }
0x84: {  	_ =	shalt  }
0x85: {  	_ =	shalt  }
0x86: {  	_ =	shalt  }
0x87: {  	_ =	shalt  }
.Lfunc_end0:
.L_simem_size_0:
called_computation.2_lowered:
.L_overlay_start_0:
0x88: {  	s2 =	sld [smem:$0x3FD9]  }
0x89: {  	s3 =	sld [smem:$0x3FFE];
	_ =	sdelay $0x1  }
0x8a: {  	s1 =	srdreg.scid  }
0x8b: {  	s0 =	sand.u32 $0x1, s1  }
0x8c: {  	s17 =	sshll.u32 s0, $0xA;
	s2 =	sadd.s32 s3, s2  }
0x8d: {  	s2 =	sadd.s32 s2, s17  }
0x8e: {  	[smem:$0x3FC2] =	sst s2  }
0x8f: {  	_ = 	snop  }
0x90: {  	s2 =	sld [smem:$0x3FD0];
	(tm) =	ssettm $0x1  }
0x91: {  	s18 =	sld [smem:$0x3FFB];
	_ =	sdelay $0x3  }
0x92: {  	_ =	strace s18  }
0x93: {  	s3 =	sld [smem:$0x3FFC];
	_ =	sdelay $0x3  }
0x94: {  	_ =	strace s3  }
0x95: {  	s3 =	sld [smem:$0x3FFD];
	_ =	sdelay $0x3  }
0x96: {  	_ =	strace s3  }
0x97: {  	_ =	strace $0x8FFFFFFF  }
0x98: {  	s19 =	sld [smem:$0x3FDB];
	_ =	sdelay $0x1  }
0x99: {  	s4 =	simm.s32 $_scs_section_size  }
0x9a: {  	s5 =	simm.s32 $_size__tile_overlayer_lowered;
	s6 =	simm.s32 $_tile_overlayer_lowered  }
0x9b: {  	s22 =	simm.s32 $0x1BFF;
	s21 =	sshll.u32 s6, $0x1;
	s3 =	sadd.s32 s4, s19  }
0x9c: {  	s7 =	simm.s32 $0x0;
	s20 =	sshll.u32 s5, $0x1;
	s5 =	sadd.s32 s21, s3  }
0x9d: {  	[timem:s7], [sflag:s22] =	dma.local [hbm:s5], s20  }
0x9e: {  	_ =	swait.ge [sflag:s22], s20  }
0x9f: {  	s4 =	ssub.s32 $0x0, s20;
	[sflag:s22] =	ssyncset.done $0x0  }
0xa0: {  	[sflag:s22] =	ssyncadd.s32 s4;
	_ =	sdelay $0x1  }
0xa1: {  	s23 =	simm.s32 $0x1B8B  }
0xa2: {  	_ =	swait.ge [sflag:s23], $0x1  }
0xa3: {  	[sflag:s23] =	ssyncset.done $0x0  }
0xa4: {  	s25 =	simm.s32 $0x1B8E;
	s24 =	sld [smem:$0x3FFE];
	[sflag:s23] =	ssyncadd.s32 $0xFFFFFFFF  }
0xa5: {  	s26 =	simm.s32 $execute0_lowered;
	[smem:$0x3FD2] =	sst s25  }
0xa6: {  	s5 =	sshll.u32 s26, $0x1;
	_ =	strace $0x8000004C;
	[dreg:$0x1] =	wrdreg $0xFFFFFFFF  }
0xa7: {  	s28 =	simm.s32 $_size_execute0_lowered;
	s3 =	sadd.s32 s3, s5;
	[dreg:$0x0] =	wrdreg $0x0  }
0xa8: {  	s5 =	sshll.u32 s28, $0x1;
	[dreg:$0x2] =	wrdreg s3  }
0xa9: {  	[dreg:$0x3] =	wrdreg s5  }
0xaa: {  	[dreg:$0x4] =	wrdreg $0xC0  }
0xab: {  	_ =	task [dreg:s7], $0x5FFFF  }
0xac: {  	[dreg:$0x1] =	wrdreg $0xFFFFFFFF  }
0xad: {  	[dreg:$0x0] =	wrdreg $0x60  }
0xae: {  	[dreg:$0x2] =	wrdreg s24  }
0xaf: {  	[dreg:$0x3] =	wrdreg s2  }
0xb0: {  	[dreg:$0x4] =	wrdreg $0x41000  }
0xb1: {  	[dreg:$0x5] =	wrdreg $0x9  }
0xb2: {  	_ =	task.clear_ibuf [dreg:s7], $0x6FFFF;
	_ =	strace $0x9000004C  }
0xb3: {  	s29 =	simm.s32 $0x9;
	_ =	strace $0x8000004E  }
0xb4: {  	_ =	swait.ge [sflag:s29], $0x1  }
0xb5: {  	[sflag:s29] =	ssyncadd.s32 $0xFFFFFFFF  }
0xb6: {  	_ =	strace $0x9000004E  }
0xb7: {  	_ =	sfence  }
0xb8: {  	s30 =	sld [smem:$0x0];
	_ =	sdelay $0x2  }
0xb9: {  	s31 =	sshll.u32 s1, $0xD;
	s1 =	sshrl.u32 s1, $0x2  }
0xba: {  	s3 =	sand.u32 $0x4000, s31;
	s1 =	sadd.s32 s1, s30  }
0xbb: {  	s0 =	sor.u32 s3, s0;
	s1 =	sshll.u32 s1, $0x11  }
0xbc: {  	s0 =	sor.u32 s1, s0  }
0xbd: {  	s0 =	sadd.s32 $0x8F2B, s0  }
0xbe: {  	[sflag:s0] =	ssyncadd.remote.s32 $0x1  }
0xbf: {  	_ =	sfence.sel $0xFFFF  }
0xc0: {  	[dreg:$0x0] =	wrdreg $0xFFFFFFFF;
	(pc) =	sbr.abs _section_cstart, $3  }
0xc1: {  	[dreg:$0x1] =	wrdreg $0xFFFFFFFF  }
0xc2: {  	_ =	task.clear_ibuf [dreg:s7], $0x2FFFF;
	_ =	strace $0x9FFFFFFF  }
0xc3: {  	(tm) =	ssettm $0x7FFFFFFF  }
tec
execute0_lowered:
.L_overlay_start_1:
0x0: {  	(tag) =	ssettag $0x1  }
0x1: {  	s5 =	rddreg [dreg:$0x0]  }
0x2: {  	s12 =	rddreg [dreg:$0x1]  }
0x3: {  	s0 =	srdreg.scid;
	s1 =	stileid.u32  }
0x4: {  	s2 =	rddreg [dreg:$0x2];
	s7 =	smul.u32 $0x9C4, s1  }
0x5: {  	s3 =	simm.s32 $0x0;
	s16 =	simm.s32 $0x100;
	s8 =	smul.u32 $0x14000, s1  }
0x6: {  	s17 =	simm.s32 $0x1;
	s6 =	sand.u32 $0x1, s0;
	s14 =	smul.u32 $0x50000, s1  }
0x7: {  	s18 =	simm.s32 $0x0;
	s0 =	rddreg [dreg:$0x3];
	s4 =	smul.u32 $0xFFFF9C40, s6  }
0x8: {  	[smem:$0x7FF] =	sst s3;
	s31 =	sshll.u32 s1, $0x6;
	s24 =	smul.u32 $0x140000, s6  }
0x9: {  	_ =	strace $0x8000004D;
	s25 =	ssub.s32 $0x2, s6;
	s6 =	sshll.u32 s6, $0x4  }
0xa: {  	s10 =	sshrl.u32 s25, $0x1;
	s26 =	sor.u32 s1, s6;
	s28 =	sshrl.u32 s14, $0x2  }
0xb: {  	s29 =	sshrl.u32 s8, $0x3;
	s6 =	sor.u32 $0x1C02, s31;
	s4 =	sand.u32 $0xFFC0, s4  }
0xc: {  	s10 =	ssub.s32 s25, s10;
	s30 =	smul.u32 $0x9C4, s26;
	s14 =	sadd.s32 s28, s2  }
0xd: {  	s4 =	sadd.s32 s7, s4;
	s7 =	sadd.s32 s8, s24;
	s10 =	smax.u32 s10, $0x1  }
0xe: {  	s9 =	sshrl.u32 s4, $0x1;
	s4 =	sadd.s32 $0xC200, s5;
	s7 =	sshrl.u32 s7, $0x3  }
.Ltmp0:
0xf: {  	s8 =	sadd.s32 $0x9C4, s30;
	s13 =	sand.u32 $0xFFF0, s9;
	(pc) =	sbr.rel .LBB2_1-.Ltmp0, $4  }
0x10: {  	s15 =	sadd.s32 s7, s5;
	s7 =	sshrl.u32 s30, $0x5;
	s8 =	sshrl.u32 s8, $0x5  }
0x11: {  	s11 =	sadd.s32 s13, s5;
	s5 =	sadd.s32 s4, s29;
	s9 =	sadd.s32 $0x34200, s15  }
0x12: {  	s12 =	sadd.s32 s13, s12;
	p0 =	sge.u32 s7, s8;
	s13 =	sshrl.u32 s14, $0x3  }
0x13: {  	s14 =	simm.s32 $0x2;
	s15 =	simm.s32 $0x80;
	s11 =	sadd.s32 $0x2400, s11  }
.LBB2_4:
0x14: {  	[sflag:s14] =	ssyncadd.s32 $0xFFFFC000  }
.LBB2_5:
0x15: {  	s18 =	sadd.s32 $0x1, s18  }
0x16: {  	p1 =	sne.s32 s18, s10  }
.Ltmp1:
0x17: {  	[bflag:$0x0] =	sbarrier.arrive $0xFFFF;
	(pc) =	sbr.rel @!p1 .LBB2_6-.Ltmp1, $4  }
0x18: {  	[hbm:s9], [sflag:s6] =	dma.local [spmem:s13], $0x2800  }
0x19: {  	_ =	swait.ge [sflag:s14], $0x2800  }
0x1a: {  	[sflag:s14] =	ssyncset.done $0x0  }
0x1b: {  	[sflag:s14] =	ssyncadd.s32 $0xFFFFD800  }
.LBB2_1:
0x1c: {  	[spmem:s13], [sflag:s6] =	dma.local [hbm:s5], $0x2800  }
.Ltmp2:
0x1d: {  	_ =	swait.ge [sflag:s14], $0x2800;
	(pc) =	sbr.rel @p0 .LBB2_5-.Ltmp2, $3  }
0x1e: {  	[sflag:s14] =	ssyncset.done $0x0  }
0x1f: {  	[sflag:s14] =	ssyncadd.s32 $0xFFFFD800  }
0x20: {  	[bflag:$0x0] =	sbarrier.arrive $0xFFFF;
	_ =	sdelay $0x1  }
0x21: {  	[tilespmem:s3], [sflag:$0x2] =	stream.linear.gather [hbm4b:s12+s3], $0x80, $0x38;
	[tilespmem:$0x18100] =	vst v63  }
0x22: {  	_ =	swait.ge [sflag:s14], $0x80  }
0x23: {  	[sflag:s14] =	ssyncset.done $0x0  }
0x24: {  	[sflag:s14] =	ssyncadd.s32 $0xFFFFFF80  }
0x25: {  	[tilespmem:s15], [sflag:$0x2] =	stream.linear.gather [hbm4b:s11+s3], $0x80, $0x38;
	[tilespmem:$0x18100] =	vst v63  }
0x26: {  	_ =	swait.ge [sflag:s14], $0x80  }
0x27: {  	[sflag:s14] =	ssyncset.done $0x0  }
0x28: {  	s19 =	sadd.s32 $0x1, s7;
	[sflag:s14] =	ssyncadd.s32 $0xFFFFFF80  }
0x29: {  	[tilespmem:s16], [sflag:$0x1] =	stream.indirect.gather [hbm4b:s4+s15], $0x80, s3, s15, $0xb8;
	[tilespmem:$0x18100] =	vst v63  }
0x2a: {  	p1 =	slt.u32 s19, s8;
	_ =	swait.ge [sflag:s17], $0x4000  }
.Ltmp3:
0x2b: {  	[sflag:s17] =	ssyncset.done $0x0;
	(pc) =	sbr.rel @!p1 .LBB2_4-.Ltmp3, $4  }
0x2c: {  	[sflag:s17] =	ssyncadd.s32 $0xFFFFC000  }
0x2d: {  	[spmem:s2] =	stream.indirect.scatter.add.f32 [tilespmem:s16], [sflag:$0x2], $0x80, s15, s15, $0xb8;
	[tilespmem:$0x18100] =	vst v63  }
0x2e: {  	_ =	swait.ge [sflag:s14], $0x4000  }
0x2f: {  	s20 =	sadd.s32 $0x10, s12;
	s21 =	smov.u32 s11;
	[sflag:s14] =	ssyncset.done $0x0  }
.LBB2_3:
0x30: {  	s19 =	sadd.s32 $0x1, s19;
	[sflag:s14] =	ssyncadd.s32 $0xFFFFC000;
	s21 =	sadd.s32 $0x10, s21  }
0x31: {  	[tilespmem:s3], [sflag:$0x2] =	stream.linear.gather [hbm4b:s20+s3], $0x80, $0x38;
	[tilespmem:$0x18100] =	vst v63  }
0x32: {  	p1 =	slt.u32 s19, s8;
	_ =	swait.ge [sflag:s14], $0x80  }
0x33: {  	[sflag:s14] =	ssyncset.done $0x0  }
0x34: {  	[sflag:s14] =	ssyncadd.s32 $0xFFFFFF80  }
0x35: {  	[tilespmem:s15], [sflag:$0x2] =	stream.linear.gather [hbm4b:s21+s3], $0x80, $0x38;
	[tilespmem:$0x18100] =	vst v63  }
0x36: {  	_ =	swait.ge [sflag:s14], $0x80  }
0x37: {  	[sflag:s14] =	ssyncset.done $0x0  }
0x38: {  	[sflag:s14] =	ssyncadd.s32 $0xFFFFFF80  }
0x39: {  	[tilespmem:s16], [sflag:$0x1] =	stream.indirect.gather [hbm4b:s4+s15], $0x80, s3, s15, $0xb8;
	[tilespmem:$0x18100] =	vst v63  }
0x3a: {  	_ =	swait.ge [sflag:s17], $0x4000  }
.Ltmp4:
0x3b: {  	[sflag:s17] =	ssyncset.done $0x0;
	(pc) =	sbr.rel @p1 .LBB2_3-.Ltmp4, $4  }
0x3c: {  	[sflag:s17] =	ssyncadd.s32 $0xFFFFC000  }
0x3d: {  	[spmem:s2] =	stream.indirect.scatter.add.f32 [tilespmem:s16], [sflag:$0x2], $0x80, s15, s15, $0xb8;
	[tilespmem:$0x18100] =	vst v63  }
0x3e: {  	_ =	swait.ge [sflag:s14], $0x4000  }
0x3f: {  	s20 =	sadd.s32 $0x10, s20;
	[sflag:s14] =	ssyncset.done $0x0  }
.Ltmp5:
0x40: {  	_ = 	snop;
	(pc) =	sbr.rel .LBB2_4-.Ltmp5, $1  }
0x41: {  	_ =	sdelay $0x3  }
.LBB2_6:
0x42: {  	_ =	sfence.sel $0x180000  }
0x43: {  	[bflag:$0x0] =	sbarrier.arrive $0xFFFF  }
0x44: {  	p0 =	sne.s32 s1, $0x0;
	_ =	strace $0x9000004D  }
0x45: {  	s0 =	sadd.s32 @!p0 $0x100000, s0;
	[bflag:$0x2] =	sbarrier.arrive $0xFFFF  }
0x46: {  	[sflag:s0] =	ssyncadd.tile.s32 @!p0 $0x1;
	_ =	shalt  }
.Lfunc_end2:
_tile_overlayer_lowered:
.L_overlay_start_2:
0x47: {  	(tag) =	ssettag $0x2  }
0x48: {  	s0 =	rddreg [dreg:$0x0];
	s2 =	stileid.u32  }
0x49: {  	s1 =	rddreg [dreg:$0x1];
	p0 =	sne.s32 s2, $0x0  }
0x4a: {  	s3 =	rddreg [dreg:$0x2];
	[bflag:$0x3] =	sbarrier.arrive $0xFFFF;
	s2 =	simm.s32 @!p0 $0x1C02  }
0x4b: {  	[timem:s3], [sflag:s2] =	dma.local @!p0 [hbm:s0], s1  }
0x4c: {  	s0 =	simm.s32 @!p0 $0x2  }
0x4d: {  	_ =	swait.ge @!p0 [sflag:s0], s1  }
0x4e: {  	s1 =	ssub.s32 @!p0 $0x0, s1;
	[sflag:s0] =	ssyncset.done @!p0 $0x0  }
0x4f: {  	[sflag:s0] =	ssyncadd.s32 @!p0 s1  }
0x50: {  	[bflag:$0x3] =	sbarrier.arrive $0xFFFF  }
0x51: {  	_ =	shalt  }

// kernel: kernel.8.cloned.1.call-start
scs
__scs_entry_jumppad:
0x0: {  	(pc) =	sbr.rel $0x88, $3  }
0x1: {  	(tag) =	ssettag $0x0;
	lr =	simm.s32 $0x1  }
0x2: {  	[smem:$0x3F9B] =	sst lr;
	_ =	strace $0xD0000000  }
0x3: {  	_ = 	snop  }
0x4: {  	_ = 	snop  }
0x5: {  	_ = 	snop  }
0x6: {  	_ = 	snop  }
0x7: {  	_ = 	snop  }
__scs_overlays_trampoline_lowered:
0x8: {  	[smem:$0x3FAA] =	sst s0  }
0x9: {  	[smem:$0x3FAB] =	sst s1  }
0xa: {  	[smem:$0x3FAC] =	sst s2  }
0xb: {  	[smem:$0x3FAD] =	sst s3  }
0xc: {  	[smem:$0x3FAE] =	sst s4  }
0xd: {  	[smem:$0x3FAF] =	sst s5  }
0xe: {  	[smem:$0x3FB0] =	sst s6  }
0xf: {  	[smem:$0x3FB1] =	sst s7  }
0x10: {  	[smem:$0x3FB2] =	sst s8  }
0x11: {  	[smem:$0x3FB3] =	sst s9;
	s0 =	simm.s32 @!p0 $0x0  }
0x12: {  	s1 =	sld [smem:$0x3F99];
	s0 =	simm.s32 @p0 $0x1  }
0x13: {  	[smem:$0x3FB4] =	sst s0;
	s0 =	simm.s32 @!p1 $0x0  }
0x14: {  	s2 =	sld [smem:$0x3F98];
	s0 =	simm.s32 @p1 $0x1  }
0x15: {  	[smem:$0x3FB5] =	sst s0;
	s0 =	simm.s32 @!p2 $0x0  }
0x16: {  	s3 =	sld [smem:$0x3FDB];
	s0 =	simm.s32 @p2 $0x1  }
0x17: {  	s4 =	simm.s32 $0x1BF5;
	[smem:$0x3FB7] =	sst s0  }
0x18: {  	s0 =	sld [smem:$0x3F9A];
	_ =	swait.ge [sflag:s4], $0x0  }
0x19: {  	s7 =	sld [smem:$0x3F9B]  }
0x1a: {  	s8 =	sadd.s32 $0xFFFFE003, lr  }
0x1b: {  	s9 =	sadd.s32 $0xFFFFFEF7, lr;
	s5 =	simm.s32 $0xFFFFFFFF;
	p2 =	slt.u32 s8, $0xFFFFF086  }
0x1c: {  	p1 =	slt.u32 s9, $0xF7A;
	s5 =	simm.s32 @!p2 $0x0  }
0x1d: {  	s5 =	simm.s32 @p1 $0x1;
	p0 =	seq.s32 s7, s2  }
0x1e: {  	s7 =	smul.u32 @!p0 $0xF7A, s2;
	p2 =	seq.s32 @!p0 s5, $0x0  }
0x1f: {  	s9 =	smul.u32 $0xF7A, s1;
	s8 =	simm.s32 @!p0 $0x1BF5;
	p2 =	por !p2, p0  }
0x20: {  	[sflag:s8] =	ssyncset.s32 @!p0 $0xFFFFF086;
	s6 =	sadd.s32 @!p0 s3, s7;
	s7 =	simm.s32 @!p0 $0x108  }
0x21: {  	s3 =	sadd.s32 s3, s9;
	s6 =	sadd.s32 @!p0 $0x88, s6;
	s7 =	simm.s32 @p2 $0x1082  }
0x22: {  	[simem:s7], [sflag:s8] =	dma.local @!p0 [hbm:s6], $0xF7A  }
0x23: {  	s9 =	sor.u32 $0xD0000000, s2;
	s6 =	simm.s32 $0x108;
	_ =	swait.ge @!p0 [sflag:s8], $0x0  }
0x24: {  	s3 =	sadd.s32 $0x88, s3;
	s6 =	simm.s32 @!p1 $0x1082;
	[sflag:s4] =	ssyncset.s32 $0xFFFFF086  }
0x25: {  	[simem:s6], [sflag:s4] =	dma.local [hbm:s3], $0xF7A  }
0x26: {  	[smem:$0x3F9B] =	sst s1;
	(tag) =	ssettag s2;
	_ =	strace s9  }
0x27: {  	s1 =	sld [smem:$0x3FAB]  }
0x28: {  	s2 =	sld [smem:$0x3FAC]  }
0x29: {  	s4 =	sld [smem:$0x3FAE]  }
0x2a: {  	p0 =	seq.s32 s5, $0x0;
	s5 =	sld [smem:$0x3FAF]  }
0x2b: {  	s6 =	sld [smem:$0x3FB0]  }
0x2c: {  	s7 =	sld [smem:$0x3FB1]  }
0x2d: {  	s3 =	simm.s32 $0x108;
	s8 =	sld [smem:$0x3FB2]  }
0x2e: {  	s3 =	simm.s32 @!p0 $0x1082;
	s9 =	sld [smem:$0x3FB3]  }
0x2f: {  	lr =	sadd.s32 s0, s3;
	s0 =	sld [smem:$0x3FAA]  }
0x30: {  	s3 =	sld [smem:$0x3FAD]  }
0x31: {  	[smem:$0x3FB6] =	sst s10  }
0x32: {  	s10 =	sld [smem:$0x3FB4];
	_ =	sdelay $0x3  }
0x33: {  	p0 =	seq.s32 s10, $0x1;
	s10 =	sld [smem:$0x3FB6];
	_ =	sdelay $0x3  }
0x34: {  	[smem:$0x3FB6] =	sst s10  }
0x35: {  	s10 =	sld [smem:$0x3FB5];
	_ =	sdelay $0x3  }
0x36: {  	p1 =	seq.s32 s10, $0x1;
	s10 =	sld [smem:$0x3FB6];
	_ =	sdelay $0x3  }
0x37: {  	[smem:$0x3FB6] =	sst s10  }
0x38: {  	s10 =	sld [smem:$0x3FB7]  }
0x39: {  	_ = 	snop;
	(pc) =	sbr.ind lr, $3  }
0x3a: {  	_ = 	snop  }
0x3b: {  	_ = 	snop  }
0x3c: {  	p2 =	seq.s32 s10, $0x1;
	s10 =	sld [smem:$0x3FB6]  }
0x3d: {  	_ =	shalt  }
0x3e: {  	_ =	shalt  }
0x3f: {  	_ =	shalt  }
0x40: {  	_ =	shalt  }
0x41: {  	_ =	shalt  }
0x42: {  	_ =	shalt  }
0x43: {  	_ =	shalt  }
0x44: {  	_ =	shalt  }
0x45: {  	_ =	shalt  }
0x46: {  	_ =	shalt  }
0x47: {  	_ =	shalt  }
0x48: {  	_ =	shalt  }
0x49: {  	_ =	shalt  }
0x4a: {  	_ =	shalt  }
0x4b: {  	_ =	shalt  }
0x4c: {  	_ =	shalt  }
0x4d: {  	_ =	shalt  }
0x4e: {  	_ =	shalt  }
0x4f: {  	_ =	shalt  }
0x50: {  	_ =	shalt  }
0x51: {  	_ =	shalt  }
0x52: {  	_ =	shalt  }
0x53: {  	_ =	shalt  }
0x54: {  	_ =	shalt  }
0x55: {  	_ =	shalt  }
0x56: {  	_ =	shalt  }
0x57: {  	_ =	shalt  }
0x58: {  	_ =	shalt  }
0x59: {  	_ =	shalt  }
0x5a: {  	_ =	shalt  }
0x5b: {  	_ =	shalt  }
0x5c: {  	_ =	shalt  }
0x5d: {  	_ =	shalt  }
0x5e: {  	_ =	shalt  }
0x5f: {  	_ =	shalt  }
0x60: {  	_ =	shalt  }
0x61: {  	_ =	shalt  }
0x62: {  	_ =	shalt  }
0x63: {  	_ =	shalt  }
0x64: {  	_ =	shalt  }
0x65: {  	_ =	shalt  }
0x66: {  	_ =	shalt  }
0x67: {  	_ =	shalt  }
0x68: {  	_ =	shalt  }
0x69: {  	_ =	shalt  }
0x6a: {  	_ =	shalt  }
0x6b: {  	_ =	shalt  }
0x6c: {  	_ =	shalt  }
0x6d: {  	_ =	shalt  }
0x6e: {  	_ =	shalt  }
0x6f: {  	_ =	shalt  }
0x70: {  	_ =	shalt  }
0x71: {  	_ =	shalt  }
0x72: {  	_ =	shalt  }
0x73: {  	_ =	shalt  }
0x74: {  	_ =	shalt  }
0x75: {  	_ =	shalt  }
0x76: {  	_ =	shalt  }
0x77: {  	_ =	shalt  }
0x78: {  	_ =	shalt  }
0x79: {  	_ =	shalt  }
0x7a: {  	_ =	shalt  }
0x7b: {  	_ =	shalt  }
0x7c: {  	_ =	shalt  }
0x7d: {  	_ =	shalt  }
0x7e: {  	_ =	shalt  }
0x7f: {  	_ =	shalt  }
0x80: {  	_ =	shalt  }
0x81: {  	_ =	shalt  }
0x82: {  	_ =	shalt  }
0x83: {  	_ =	shalt  }
0x84: {  	_ =	shalt  }
0x85: {  	_ =	shalt  }
0x86: {  	_ =	shalt  }
0x87: {  	_ =	shalt  }
.Lfunc_end0:
.L_simem_size_0:
called_computation_lowered:
.L_overlay_start_0:
0x88: {  	s2 =	sld [smem:$0x3FD9]  }
0x89: {  	s3 =	sld [smem:$0x3FFE];
	_ =	sdelay $0x1  }
0x8a: {  	s1 =	srdreg.scid  }
0x8b: {  	s0 =	sand.u32 $0x1, s1  }
0x8c: {  	s16 =	sshll.u32 s0, $0xA;
	s2 =	sadd.s32 s3, s2  }
0x8d: {  	s2 =	sadd.s32 s2, s16  }
0x8e: {  	[smem:$0x3FC2] =	sst s2  }
0x8f: {  	_ = 	snop  }
0x90: {  	(tm) =	ssettm $0x1  }
0x91: {  	s17 =	sld [smem:$0x3FFB];
	_ =	sdelay $0x3  }
0x92: {  	_ =	strace s17  }
0x93: {  	s2 =	sld [smem:$0x3FFC];
	_ =	sdelay $0x3  }
0x94: {  	_ =	strace s2  }
0x95: {  	s2 =	sld [smem:$0x3FFD];
	_ =	sdelay $0x3  }
0x96: {  	_ =	strace s2  }
0x97: {  	_ =	strace $0x8FFFFFFF  }
0x98: {  	s18 =	sld [smem:$0x3FDB];
	_ =	sdelay $0x1  }
0x99: {  	s19 =	simm.s32 $_scs_section_size  }
0x9a: {  	s4 =	simm.s32 $_size__tile_overlayer_lowered;
	s5 =	simm.s32 $_tile_overlayer_lowered  }
0x9b: {  	s22 =	simm.s32 $0x1BFF;
	s21 =	sshll.u32 s5, $0x1;
	s2 =	sadd.s32 s19, s18  }
0x9c: {  	s6 =	simm.s32 $0x0;
	s20 =	sshll.u32 s4, $0x1;
	s4 =	sadd.s32 s21, s2  }
0x9d: {  	[timem:s6], [sflag:s22] =	dma.local [hbm:s4], s20  }
0x9e: {  	_ =	swait.ge [sflag:s22], s20  }
0x9f: {  	s3 =	ssub.s32 $0x0, s20;
	[sflag:s22] =	ssyncset.done $0x0  }
0xa0: {  	[sflag:s22] =	ssyncadd.s32 s3;
	_ =	sdelay $0x1  }
0xa1: {  	s23 =	simm.s32 $0x1B8B  }
0xa2: {  	_ =	swait.ge [sflag:s23], $0x1  }
0xa3: {  	[sflag:s23] =	ssyncset.done $0x0  }
0xa4: {  	s25 =	simm.s32 $0x1B8E;
	s24 =	sld [smem:$0x3FFE];
	[sflag:s23] =	ssyncadd.s32 $0xFFFFFFFF  }
0xa5: {  	s26 =	simm.s32 $execute0_lowered;
	[smem:$0x3FD2] =	sst s25  }
0xa6: {  	s4 =	sshll.u32 s26, $0x1;
	_ =	strace $0x80000046;
	[dreg:$0x1] =	wrdreg $0xFFFFFFFF  }
0xa7: {  	s28 =	simm.s32 $_size_execute0_lowered;
	s2 =	sadd.s32 s2, s4;
	[dreg:$0x0] =	wrdreg $0x0  }
0xa8: {  	s4 =	sshll.u32 s28, $0x1;
	[dreg:$0x2] =	wrdreg s2  }
0xa9: {  	[dreg:$0x3] =	wrdreg s4  }
0xaa: {  	[dreg:$0x4] =	wrdreg $0xC0  }
0xab: {  	_ =	task [dreg:s6], $0x5FFFF  }
0xac: {  	[dreg:$0x1] =	wrdreg $0xFFFFFFFF  }
0xad: {  	[dreg:$0x0] =	wrdreg $0x60  }
0xae: {  	[dreg:$0x2] =	wrdreg s24  }
0xaf: {  	[dreg:$0x3] =	wrdreg $0x3800  }
0xb0: {  	[dreg:$0x4] =	wrdreg $0x9  }
0xb1: {  	_ =	task.clear_ibuf [dreg:s6], $0x5FFFF;
	_ =	strace $0x90000046  }
0xb2: {  	s29 =	simm.s32 $0x9;
	_ =	strace $0x80000048  }
0xb3: {  	_ =	swait.ge [sflag:s29], $0x1  }
0xb4: {  	[sflag:s29] =	ssyncadd.s32 $0xFFFFFFFF  }
0xb5: {  	_ =	strace $0x90000048  }
0xb6: {  	_ =	sfence  }
0xb7: {  	s30 =	sld [smem:$0x0];
	_ =	sdelay $0x2  }
0xb8: {  	s31 =	sshll.u32 s1, $0xD;
	s1 =	sshrl.u32 s1, $0x2  }
0xb9: {  	s3 =	sand.u32 $0x4000, s31;
	s1 =	sadd.s32 s1, s30  }
0xba: {  	s0 =	sor.u32 s3, s0;
	s1 =	sshll.u32 s1, $0x11  }
0xbb: {  	s0 =	sor.u32 s1, s0  }
0xbc: {  	s0 =	sadd.s32 $0x8F2B, s0  }
0xbd: {  	[sflag:s0] =	ssyncadd.remote.s32 $0x1  }
0xbe: {  	_ =	sfence.sel $0xFFFF  }
0xbf: {  	[dreg:$0x0] =	wrdreg $0xFFFFFFFF;
	(pc) =	sbr.abs _section_cstart, $3  }
0xc0: {  	[dreg:$0x1] =	wrdreg $0xFFFFFFFF  }
0xc1: {  	_ =	task.clear_ibuf [dreg:s6], $0x2FFFF;
	_ =	strace $0x9FFFFFFF  }
0xc2: {  	(tm) =	ssettm $0x7FFFFFFF  }
0xc3: {  	_ =	shalt  }
tec
execute0_lowered:
.L_overlay_start_1:
0x0: {  	(tag) =	ssettag $0x1  }
0x1: {  	s1 =	srdreg.scid  }
0x2: {  	s1 =	sand.u32 $0x1, s1  }
0x3: {  	p0 =	seq.s32 s1, $0x1  }
.Ltmp0:
0x4: {  	_ = 	snop;
	(pc) =	sbr.rel @p0 .LBB2_6-.Ltmp0, $4  }
0x5: {  	s3 =	rddreg [dreg:$0x0]  }
0x6: {  	s2 =	rddreg [dreg:$0x1];
	s4 =	simm.s32 $0x0  }
0x7: {  	[smem:$0x7FF] =	sst s4  }
0x8: {  	s0 =	rddreg [dreg:$0x2];
	_ =	strace $0x80000047;
	s1 =	stileid.u32  }
0x9: {  	v0 =	vimm.f32 $1.000000000e+00  }
0xa: {  	[tilespmem:$0x80] =	vst v0  }
0xb: {  	[tilespmem:$0x90] =	vst v0  }
0xc: {  	[tilespmem:$0xA0] =	vst v0  }
0xd: {  	[tilespmem:$0xB0] =	vst v0  }
0xe: {  	[tilespmem:$0xC0] =	vst v0  }
0xf: {  	[tilespmem:$0xD0] =	vst v0  }
0x10: {  	[tilespmem:$0xE0] =	vst v0  }
0x11: {  	v63 =	vimm.f32 $0.0e+00;
	[tilespmem:$0xF0] =	vst v0  }
0x12: {  	[tilespmem:$0x100] =	vst v63  }
0x13: {  	[tilespmem:$0x110] =	vst v63  }
0x14: {  	[tilespmem:$0x120] =	vst v63  }
0x15: {  	[tilespmem:$0x130] =	vst v63  }
0x16: {  	[tilespmem:$0x140] =	vst v63  }
0x17: {  	[tilespmem:$0x150] =	vst v63  }
0x18: {  	[tilespmem:$0x160] =	vst v63  }
0x19: {  	[tilespmem:$0x170] =	vst v63  }
0x1a: {  	[tilespmem:$0x180] =	vst v63  }
0x1b: {  	[tilespmem:$0x190] =	vst v63  }
0x1c: {  	[tilespmem:$0x1A0] =	vst v63  }
0x1d: {  	[tilespmem:$0x1B0] =	vst v63  }
0x1e: {  	[tilespmem:$0x1C0] =	vst v63  }
0x1f: {  	[tilespmem:$0x1D0] =	vst v63  }
0x20: {  	[tilespmem:$0x1E0] =	vst v63  }
0x21: {  	[tilespmem:$0x1F0] =	vst v63  }
0x22: {  	[tilespmem:$0x200] =	vst v63  }
0x23: {  	[tilespmem:$0x210] =	vst v63  }
0x24: {  	[tilespmem:$0x220] =	vst v63  }
0x25: {  	[tilespmem:$0x230] =	vst v63  }
0x26: {  	[tilespmem:$0x240] =	vst v63  }
0x27: {  	[tilespmem:$0x250] =	vst v63  }
0x28: {  	[tilespmem:$0x260] =	vst v63  }
0x29: {  	[tilespmem:$0x270] =	vst v63  }
0x2a: {  	[tilespmem:$0x280] =	vst v63  }
0x2b: {  	[tilespmem:$0x290] =	vst v63  }
0x2c: {  	[tilespmem:$0x2A0] =	vst v63  }
0x2d: {  	[tilespmem:$0x2B0] =	vst v63  }
0x2e: {  	[tilespmem:$0x2C0] =	vst v63  }
0x2f: {  	[tilespmem:$0x2D0] =	vst v63  }
0x30: {  	[tilespmem:$0x2E0] =	vst v63  }
0x31: {  	[tilespmem:$0x2F0] =	vst v63  }
0x32: {  	[tilespmem:$0x300] =	vst v63  }
0x33: {  	[tilespmem:$0x310] =	vst v63  }
0x34: {  	[tilespmem:$0x320] =	vst v63  }
0x35: {  	[tilespmem:$0x330] =	vst v63  }
0x36: {  	s6 =	smul.u32 $0x280, s1;
	[tilespmem:$0x340] =	vst v63  }
0x37: {  	s7 =	smul.u32 $0x9C4, s1;
	[tilespmem:$0x350] =	vst v63  }
0x38: {  	[tilespmem:$0x360] =	vst v63  }
0x39: {  	s5 =	simm.s32 $0x100;
	[tilespmem:$0x370] =	vst v63;
	s4 =	sadd.s32 s6, s2;
	s8 =	sadd.s32 $0x9C4, s7  }
0x3a: {  	[spmem:s4] =	stream.linear.scatter [tilespmem:s5], [sflag:$0x1], $0x280, $0x38;
	[tilespmem:$0x600] =	vst v63  }
0x3b: {  	s9 =	sshrl.u32 s7, $0x4;
	s8 =	sshrl.u32 s8, $0x4  }
0x3c: {  	s5 =	simm.s32 $0x1;
	p0 =	sle.u32 s8, s9  }
.Ltmp1:
0x3d: {  	_ =	swait.ge [sflag:s5], $0x280;
	(pc) =	sbr.rel @p0 .LBB2_5-.Ltmp1, $4  }
0x3e: {  	[sflag:s5] =	ssyncset.done $0x0  }
0x3f: {  	s6 =	sshrl.u32 s6, $0x3;
	[sflag:s5] =	ssyncadd.s32 $0xFFFFFD80  }
0x40: {  	s6 =	sadd.s32 s6, s3;
	[bflag:$0x0] =	sbarrier.arrive $0xFFFF  }
0x41: {  	s6 =	sadd.s32 $0xC200, s6  }
0x42: {  	s3 =	sadd.s32 $0x2400, s3;
	s7 =	sshll.u32 s9, $0x4  }
0x43: {  	s31 =	ssub.s32 s8, s9;
	s3 =	sadd.s32 s7, s3;
	s7 =	simm.s32 $0x0  }
0x44: {  	[tilespmem:s7], [sflag:$0x1] =	stream.linear.gather [hbm4b:s3+s7], $0x80, $0x38;
	[tilespmem:$0x600] =	vst v63  }
0x45: {  	p0 =	sne.s32 s31, $0x1;
	_ =	swait.ge [sflag:s5], $0x80  }
.Ltmp2:
0x46: {  	[sflag:s5] =	ssyncset.done $0x0;
	(pc) =	sbr.rel @!p0 .LBB2_4-.Ltmp2, $4  }
0x47: {  	s8 =	simm.s32 $0x80;
	[sflag:s5] =	ssyncadd.s32 $0xFFFFFF80  }
0x48: {  	[spmem:s2] =	stream.indirect.scatter.add.f32 [tilespmem:s8], [sflag:$0x1], $0x1, s7, s8, $0xb8;
	[tilespmem:$0x600] =	vst v63  }
0x49: {  	_ =	swait.ge [sflag:s5], $0x80  }
0x4a: {  	s9 =	sadd.s32 $0xFFFFFFFF, s31;
	[sflag:s5] =	ssyncset.done $0x0  }
.LBB2_3:
0x4b: {  	p0 =	sne.s32 s9, $0x1;
	[sflag:s5] =	ssyncadd.s32 $0xFFFFFF80;
	s3 =	sadd.s32 $0x10, s3  }
0x4c: {  	[tilespmem:s7], [sflag:$0x1] =	stream.linear.gather [hbm4b:s3+s7], $0x80, $0x38;
	[tilespmem:$0x600] =	vst v63  }
0x4d: {  	s9 =	sadd.s32 $0xFFFFFFFF, s9;
	_ =	swait.ge [sflag:s5], $0x80  }
.Ltmp3:
0x4e: {  	[sflag:s5] =	ssyncset.done $0x0;
	(pc) =	sbr.rel @p0 .LBB2_3-.Ltmp3, $4  }
0x4f: {  	[sflag:s5] =	ssyncadd.s32 $0xFFFFFF80  }
0x50: {  	[spmem:s2] =	stream.indirect.scatter.add.f32 [tilespmem:s8], [sflag:$0x1], $0x1, s7, s8, $0xb8;
	[tilespmem:$0x600] =	vst v63  }
0x51: {  	_ =	swait.ge [sflag:s5], $0x80  }
0x52: {  	[sflag:s5] =	ssyncset.done $0x0  }
.LBB2_4:
0x53: {  	[sflag:s5] =	ssyncadd.s32 $0xFFFFFF80  }
.LBB2_5:
0x54: {  	s2 =	sshll.u32 s1, $0x6  }
0x55: {  	[bflag:$0x0] =	sbarrier.arrive $0xFFFF;
	s3 =	sshrl.u32 s4, $0x3;
	s2 =	sor.u32 $0x1C01, s2  }
0x56: {  	[hbm:s6], [sflag:s2] =	dma.local [spmem:s3], $0x50  }
0x57: {  	_ =	swait.ge [sflag:s5], $0x50  }
0x58: {  	[sflag:s5] =	ssyncset.done $0x0  }
0x59: {  	[sflag:s5] =	ssyncadd.s32 $0xFFFFFFB0  }
.LBB2_6:
0x5a: {  	_ =	sfence.sel $0x180000  }
0x5b: {  	[bflag:$0x0] =	sbarrier.arrive $0xFFFF  }
0x5c: {  	p0 =	sne.s32 s1, $0x0;
	_ =	strace $0x90000047  }
0x5d: {  	s0 =	sadd.s32 @!p0 $0x100000, s0;
	[bflag:$0x2] =	sbarrier.arrive $0xFFFF  }
0x5e: {  	[sflag:s0] =	ssyncadd.tile.s32 @!p0 $0x1;
	_ =	shalt  }
.Lfunc_end2:
_tile_overlayer_lowered:
.L_overlay_start_2:
0x5f: {  	(tag) =	ssettag $0x2  }
0x60: {  	s0 =	rddreg [dreg:$0x0];
	s2 =	stileid.u32  }
0x61: {  	s1 =	rddreg [dreg:$0x1];
	p0 =	sne.s32 s2, $0x0  }
0x62: {  	s3 =	rddreg [dreg:$0x2];
	[bflag:$0x3] =	sbarrier.arrive $0xFFFF;
	s2 =	simm.s32 @!p0 $0x1C01  }
0x63: {  	[timem:s3], [sflag:s2] =	dma.local @!p0 [hbm:s0], s1  }
0x64: {  	s0 =	simm.s32 @!p0 $0x1  }
0x65: {  	_ =	swait.ge @!p0 [sflag:s0], s1  }
0x66: {  	s1 =	ssub.s32 @!p0 $0x0, s1;
	[sflag:s0] =	ssyncset.done @!p0 $0x0  }
0x67: {  	[sflag:s0] =	ssyncadd.s32 @!p0 s1  }
0x68: {  	[bflag:$0x3] =	sbarrier.arrive $0xFFFF  }
0x69: {  	_ =	shalt  }

</sc_bundles>
